<compile_context>
chip_gen: v7x
topology: tpu7x:2x2x1
jax: 0.10.2.dev20260603
libtpu: 0.0.44.dev20260713+nightly
codegen_flags: <defaults>
</compile_context>

<pallas_src>
import functools

import jax
import jax.numpy as jnp
from jax import lax
from jax.experimental import pallas as pl
from jax.experimental.pallas import tpu as pltpu
from jax.experimental.pallas import tpu_sc as plsc

N_NODES = 50000
N_EDGES = 800000
N_PAIRS = N_EDGES // 2
D_NODE = 31
D_HID = 64
BOX = 6.0

NUM_CORES = 2
NUM_SUBCORES = 16
NW = NUM_CORES * NUM_SUBCORES
CHUNK = 400
TOTAL_CHUNKS = N_PAIRS // CHUNK
K_STEPS = -(-TOTAL_CHUNKS // NW)
TW = D_NODE + 1

BEH = 4000
TC_GRID = N_PAIRS // BEH


def _sc_gather_body(t_hbm, rs_hbm, rr_hbm, g_hbm,
                    idx_se, idx_so, idx_re, idx_ro, sve, svo, rve, rvo,
                    sem):
  wid = lax.axis_index("s") * NUM_CORES + lax.axis_index("c")

  def step(k, _):
    q = k * NW + wid

    @pl.when(q < TOTAL_CHUNKS)
    def _():
      base = pl.multiple_of(q * CHUNK, 8)
      pltpu.sync_copy(rs_hbm.at[pl.ds(base, CHUNK)], idx_se)
      pltpu.sync_copy(rs_hbm.at[pl.ds(base + N_PAIRS, CHUNK)], idx_so)
      pltpu.sync_copy(rr_hbm.at[pl.ds(base, CHUNK)], idx_re)
      pltpu.sync_copy(rr_hbm.at[pl.ds(base + N_PAIRS, CHUNK)], idx_ro)
      c1 = pltpu.async_copy(t_hbm.at[idx_se], sve, sem)
      c2 = pltpu.async_copy(t_hbm.at[idx_so], svo, sem)
      c3 = pltpu.async_copy(t_hbm.at[idx_re], rve, sem)
      c4 = pltpu.async_copy(t_hbm.at[idx_ro], rvo, sem)
      c1.wait()
      c2.wait()
      c3.wait()
      c4.wait()
      pltpu.sync_copy(sve, g_hbm.at[pl.ds(base, CHUNK), pl.ds(0, TW)])
      pltpu.sync_copy(rve, g_hbm.at[pl.ds(base, CHUNK), pl.ds(TW, TW)])
      pltpu.sync_copy(svo, g_hbm.at[pl.ds(base, CHUNK), pl.ds(2 * TW, TW)])
      pltpu.sync_copy(rvo, g_hbm.at[pl.ds(base, CHUNK), pl.ds(3 * TW, TW)])

    return 0

  lax.fori_loop(0, K_STEPS, step, 0)


_sc_gather = functools.partial(
    pl.kernel,
    out_type=jax.ShapeDtypeStruct((N_PAIRS, 128), jnp.float32),
    mesh=plsc.VectorSubcoreMesh(core_axis_name="c", subcore_axis_name="s",
                                num_cores=NUM_CORES,
                                num_subcores=NUM_SUBCORES),
    scratch_types=[
        pltpu.VMEM((CHUNK,), jnp.int32),
        pltpu.VMEM((CHUNK,), jnp.int32),
        pltpu.VMEM((CHUNK,), jnp.int32),
        pltpu.VMEM((CHUNK,), jnp.int32),
        pltpu.VMEM((CHUNK, TW), jnp.float32),
        pltpu.VMEM((CHUNK, TW), jnp.float32),
        pltpu.VMEM((CHUNK, TW), jnp.float32),
        pltpu.VMEM((CHUNK, TW), jnp.float32),
        pltpu.SemaphoreType.DMA,
    ],
    compiler_params=pltpu.CompilerParams(use_tc_tiling_on_sc=False),
)(_sc_gather_body)


def _unpack_pos(col):
  hi = jnp.uint32(0xFFFF0000)
  u = lax.bitcast_convert_type(col, jnp.uint32)
  px = lax.bitcast_convert_type(u & hi, jnp.float32)
  py = lax.bitcast_convert_type(u << 16, jnp.float32)
  return px, py


def _wrap(d):
  half = BOX / 2
  d = jnp.where(d > half, d - BOX, d)
  return jnp.where(d <= -half, d + BOX, d)


def _tc_mlp_body(g_ref, m_ref, b1_ref, w2_ref, b2_ref, o_ref):
  g = g_ref[...]
  sxe, sye = _unpack_pos(g[:, TW - 1:TW])
  rxe, rye = _unpack_pos(g[:, 2 * TW - 1:2 * TW])
  sxo, syo = _unpack_pos(g[:, 3 * TW - 1:3 * TW])
  rxo, ryo = _unpack_pos(g[:, 4 * TW - 1:4 * TW])
  d0e = _wrap(sxe - rxe)
  d1e = _wrap(sye - rye)
  d0o = _wrap(sxo - rxo)
  d1o = _wrap(syo - ryo)
  lane = lax.broadcasted_iota(jnp.int32, (BEH, 128), 1)
  g = jnp.where(lane == TW - 1, d0e, g)
  g = jnp.where(lane == 2 * TW - 1, d1e, g)
  g = jnp.where(lane == 3 * TW - 1, d0o, g)
  g = jnp.where(lane == 4 * TW - 1, d1o, g)
  h = jnp.dot(g, m_ref[...], preferred_element_type=jnp.float32)
  h = jnp.maximum(h + b1_ref[...], 0.0)
  o = jnp.dot(h, w2_ref[...], preferred_element_type=jnp.float32)
  o = jnp.maximum(o + b2_ref[...], 0.0)
  o_ref[0] = o[:, 0:D_HID]
  o_ref[1] = o[:, D_HID:2 * D_HID]


def _tc_mlp(g, m, b1r, w2, b2r):
  return pl.pallas_call(
      _tc_mlp_body,
      grid=(TC_GRID,),
      in_specs=[
          pl.BlockSpec((BEH, 128), lambda i: (i, 0)),
          pl.BlockSpec((128, 128), lambda i: (0, 0)),
          pl.BlockSpec((1, 128), lambda i: (0, 0)),
          pl.BlockSpec((128, 128), lambda i: (0, 0)),
          pl.BlockSpec((1, 128), lambda i: (0, 0)),
      ],
      out_specs=pl.BlockSpec((2, BEH, D_HID), lambda i: (0, i, 0)),
      out_shape=jax.ShapeDtypeStruct((2, N_PAIRS, D_HID), jnp.float32),
  )(g, m, b1r, w2, b2r)


@jax.jit
def kernel(V_no_pos, V_pos, R_s, R_r, W1, b1, W2, b2):
  v = V_no_pos[0]
  p = V_pos[0]
  px_bits = lax.bitcast_convert_type(
      p[:, 0].astype(jnp.bfloat16), jnp.uint16).astype(jnp.uint32)
  py_bits = lax.bitcast_convert_type(
      p[:, 1].astype(jnp.bfloat16), jnp.uint16).astype(jnp.uint32)
  packed = lax.bitcast_convert_type((px_bits << 16) | py_bits, jnp.float32)
  table = jnp.concatenate([v, packed[:, None]], axis=1)

  rs = R_s.reshape(N_EDGES).astype(jnp.int32)
  rr = R_r.reshape(N_EDGES).astype(jnp.int32)
  g = _sc_gather(table, rs, rr)

  mhalf = jnp.concatenate(
      [W1[:, 0:D_NODE].T,
       W1[:, 2 * D_NODE:2 * D_NODE + 1].T,
       W1[:, D_NODE:2 * D_NODE].T,
       W1[:, 2 * D_NODE + 1:2 * D_NODE + 2].T],
      axis=0)
  z = jnp.zeros((64, 64), jnp.float32)
  m = jnp.concatenate(
      [jnp.concatenate([mhalf, z], axis=1),
       jnp.concatenate([z, mhalf], axis=1)], axis=0)
  w2 = jnp.concatenate(
      [jnp.concatenate([W2.T, z], axis=1),
       jnp.concatenate([z, W2.T], axis=1)], axis=0)
  b1r = jnp.concatenate([b1, b1])[None, :]
  b2r = jnp.concatenate([b2, b2])[None, :]

  out = _tc_mlp(g, m, b1r, w2, b2r)
  return out.reshape(1, N_EDGES, D_HID)

# --- scband reference (transcript-rebuilt; emitter-appended) ---
"""Pipeline reference for scband-edge-model-60498909331856 (READ-ONLY COPY).

The authoritative reference and input builder live on the scoring server;
editing this copy changes nothing except your own understanding.
"""

import jax, jax.numpy as jnp
import numpy as np

B, N, E = 1, 50000, 800000
D_NODE, D_POS, D_HID = 31, 2, 64
BOX = 6.0


def setup_inputs(seed: int = 0) -> dict:
    key = jax.random.key(seed)
    k = jax.random.split(key, 8)
    V_no_pos = jax.random.normal(k[0], (B, N, D_NODE), dtype=jnp.float32)
    V_pos = jax.random.uniform(k[1], (B, N, D_POS), dtype=jnp.float32)
    R_s = jax.random.randint(k[2], (B, E, 1), 0, N)
    R_r = jax.random.randint(k[3], (B, E, 1), 0, N)
    lim1 = 1.0 / np.sqrt(2 * D_NODE + D_POS)
    W1 = jax.random.uniform(k[4], (D_HID, 2 * D_NODE + D_POS), minval=-lim1, maxval=lim1, dtype=jnp.float32)
    b1 = jax.random.uniform(k[5], (D_HID,), minval=-lim1, maxval=lim1, dtype=jnp.float32)
    lim2 = 1.0 / np.sqrt(D_HID)
    W2 = jax.random.uniform(k[6], (D_HID, D_HID), minval=-lim2, maxval=lim2, dtype=jnp.float32)
    b2 = jax.random.uniform(k[7], (D_HID,), minval=-lim2, maxval=lim2, dtype=jnp.float32)
    return {"V_no_pos": V_no_pos, "V_pos": V_pos, "R_s": R_s, "R_r": R_r, "W1": W1, "b1": b1, "W2": W2, "b2": b2}


def reference(V_no_pos, V_pos, R_s, R_r, W1, b1, W2, b2):
    b, e, _ = R_s.shape
    d_node = V_no_pos.shape[2]
    d_pos = V_pos.shape[2]
    sn = jnp.take_along_axis(V_no_pos, jnp.broadcast_to(R_s, (b, e, d_node)), axis=1)
    rn = jnp.take_along_axis(V_no_pos, jnp.broadcast_to(R_r, (b, e, d_node)), axis=1)
    sp = jnp.take_along_axis(V_pos, jnp.broadcast_to(R_s, (b, e, d_pos)), axis=1)
    rp = jnp.take_along_axis(V_pos, jnp.broadcast_to(R_r, (b, e, d_pos)), axis=1)
    Eft = jnp.concatenate([sn, rn, sp - rp], axis=-1)
    last2 = Eft[:, :, -2:]
    last2 = jnp.where(last2 > BOX / 2, last2 - BOX, last2)
    last2 = jnp.where(last2 <= -BOX / 2, last2 + BOX, last2)
    Eft = jnp.concatenate([Eft[:, :, :-2], last2], axis=-1)
    h = jax.nn.relu(Eft @ W1.T + b1)
    out = jax.nn.relu(h @ W2.T + b2)
    return out

if __name__ == "__main__":
    import jax
    _d = setup_inputs()
    print(jax.jit(kernel)(*tuple(_d.values())))

</pallas_src>

<mosaic_0001>
#map = affine_map<(d0, d1) -> (0, 0)>
#map1 = affine_map<(d0, d1) -> (0)>
module attributes {stable_mosaic.version = 14 : i64} {
  func.func @_sc_gather_body(%arg0: i32, %arg1: i32, %arg2: memref<50000x32xf32, #tpu.memory_space<hbm>>, %arg3: memref<800000xi32, #tpu.memory_space<hbm>>, %arg4: memref<800000xi32, #tpu.memory_space<hbm>>, %arg5: memref<400000x128xf32, #tpu.memory_space<hbm>>, %arg6: memref<400xi32, #tpu.memory_space<vmem>>, %arg7: memref<400xi32, #tpu.memory_space<vmem>>, %arg8: memref<400xi32, #tpu.memory_space<vmem>>, %arg9: memref<400xi32, #tpu.memory_space<vmem>>, %arg10: memref<400x32xf32, #tpu.memory_space<vmem>>, %arg11: memref<400x32xf32, #tpu.memory_space<vmem>>, %arg12: memref<400x32xf32, #tpu.memory_space<vmem>>, %arg13: memref<400x32xf32, #tpu.memory_space<vmem>>, %arg14: memref<!tpu.dma_semaphore, #tpu.memory_space<semaphore_mem>>) attributes {dimension_semantics = [#tpu.dimension_semantics<core_parallel>, #tpu.dimension_semantics<subcore_parallel>], iteration_bounds = array<i64: 2, 16>, scalar_prefetch = 0 : i64, scratch_operands = 9 : i64, tpu.core_type = #tpu.core_type<sc_vector_subcore>, window_params = [{transform_indices = #map}, {transform_indices = #map1}, {transform_indices = #map1}, {transform_indices = #map}]} {
    %mul3A = arith.constant 2 : i32
    %mul3A_0 = arith.muli %arg1, %mul3A : i32
    %add3A = arith.addi %mul3A_0, %arg0 : i32
    %scan3A = arith.constant 0 : i32
    %scan3A_1 = arith.constant 0 : i32
    %scan3A_2 = arith.constant 32 : i32
    %scan3A_3 = arith.addi %scan3A_1, %scan3A_2 : i32
    %scan3A_4 = arith.constant 1 : i32
    %scan3A_5 = scf.for %scan3A_7 = %scan3A_1 to %scan3A_3 step %scan3A_4 iter_args(%scan3A_8 = %scan3A) -> (i32)  : i32 {
      %mul3A_9 = arith.constant 32 : i32
      %mul3A_10 = arith.muli %scan3A_7, %mul3A_9 : i32
      %add3A_11 = arith.addi %mul3A_10, %add3A : i32
      %lt3A = arith.constant 1000 : i32
      %lt3A_12 = arith.cmpi slt, %add3A_11, %lt3A : i32
      %convert_element_type3A = arith.extui %lt3A_12 : i1 to i32
      %cond3A = arith.constant 0 : i32
      %cond3A_13 = arith.cmpi ne, %convert_element_type3A, %cond3A : i32
      scf.if %cond3A_13 {
        %mul3A_15 = arith.constant 400 : i32
        %mul3A_16 = arith.muli %add3A_11, %mul3A_15 : i32
        %multiple_of3A = tpu.assume_multiple %mul3A_16, 8 : i32
        "tpu.region"() ({
          %run_scoped3A = tpu.sem_alloc : memref<!tpu.dma_semaphore, #tpu.memory_space<semaphore_mem>>
          %dma_start3A_43 = tpu.memref_slice %arg3[%multiple_of3A] : memref<800000xi32, #tpu.memory_space<hbm>> -> memref<400xi32, #tpu.memory_space<hbm>>
          %dma_start3A_44 = tpu.memref_slice %arg3[%multiple_of3A] : memref<800000xi32, #tpu.memory_space<hbm>> -> memref<400xi32, #tpu.memory_space<hbm>>
          tpu.enqueue_dma source(%dma_start3A_44 : memref<400xi32, #tpu.memory_space<hbm>>) target(%arg6 : memref<400xi32, #tpu.memory_space<vmem>>) target_semaphore(%run_scoped3A : memref<!tpu.dma_semaphore, #tpu.memory_space<semaphore_mem>>)
          %dma_wait3A_45 = tpu.memref_slice %arg3[%multiple_of3A] : memref<800000xi32, #tpu.memory_space<hbm>> -> memref<400xi32, #tpu.memory_space<hbm>>
          %dma_wait3A_46 = tpu.memref_slice %arg3[%multiple_of3A] : memref<800000xi32, #tpu.memory_space<hbm>> -> memref<400xi32, #tpu.memory_space<hbm>>
          tpu.wait_dma2 semaphore(%run_scoped3A : memref<!tpu.dma_semaphore, #tpu.memory_space<semaphore_mem>>) src(%dma_wait3A_46 : memref<400xi32, #tpu.memory_space<hbm>>) dst(%arg6 : memref<400xi32, #tpu.memory_space<vmem>>)
          tpu.yield
        }) : () -> ()
        %add3A_17 = arith.constant 400000 : i32
        %add3A_18 = arith.addi %multiple_of3A, %add3A_17 : i32
        "tpu.region"() ({
          %run_scoped3A = tpu.sem_alloc : memref<!tpu.dma_semaphore, #tpu.memory_space<semaphore_mem>>
          %dma_start3A_43 = tpu.memref_slice %arg3[%add3A_18] : memref<800000xi32, #tpu.memory_space<hbm>> -> memref<400xi32, #tpu.memory_space<hbm>>
          %dma_start3A_44 = tpu.memref_slice %arg3[%add3A_18] : memref<800000xi32, #tpu.memory_space<hbm>> -> memref<400xi32, #tpu.memory_space<hbm>>
          tpu.enqueue_dma source(%dma_start3A_44 : memref<400xi32, #tpu.memory_space<hbm>>) target(%arg7 : memref<400xi32, #tpu.memory_space<vmem>>) target_semaphore(%run_scoped3A : memref<!tpu.dma_semaphore, #tpu.memory_space<semaphore_mem>>)
          %dma_wait3A_45 = tpu.memref_slice %arg3[%add3A_18] : memref<800000xi32, #tpu.memory_space<hbm>> -> memref<400xi32, #tpu.memory_space<hbm>>
          %dma_wait3A_46 = tpu.memref_slice %arg3[%add3A_18] : memref<800000xi32, #tpu.memory_space<hbm>> -> memref<400xi32, #tpu.memory_space<hbm>>
          tpu.wait_dma2 semaphore(%run_scoped3A : memref<!tpu.dma_semaphore, #tpu.memory_space<semaphore_mem>>) src(%dma_wait3A_46 : memref<400xi32, #tpu.memory_space<hbm>>) dst(%arg7 : memref<400xi32, #tpu.memory_space<vmem>>)
          tpu.yield
        }) : () -> ()
        "tpu.region"() ({
          %run_scoped3A = tpu.sem_alloc : memref<!tpu.dma_semaphore, #tpu.memory_space<semaphore_mem>>
          %dma_start3A_43 = tpu.memref_slice %arg4[%multiple_of3A] : memref<800000xi32, #tpu.memory_space<hbm>> -> memref<400xi32, #tpu.memory_space<hbm>>
          %dma_start3A_44 = tpu.memref_slice %arg4[%multiple_of3A] : memref<800000xi32, #tpu.memory_space<hbm>> -> memref<400xi32, #tpu.memory_space<hbm>>
          tpu.enqueue_dma source(%dma_start3A_44 : memref<400xi32, #tpu.memory_space<hbm>>) target(%arg8 : memref<400xi32, #tpu.memory_space<vmem>>) target_semaphore(%run_scoped3A : memref<!tpu.dma_semaphore, #tpu.memory_space<semaphore_mem>>)
          %dma_wait3A_45 = tpu.memref_slice %arg4[%multiple_of3A] : memref<800000xi32, #tpu.memory_space<hbm>> -> memref<400xi32, #tpu.memory_space<hbm>>
          %dma_wait3A_46 = tpu.memref_slice %arg4[%multiple_of3A] : memref<800000xi32, #tpu.memory_space<hbm>> -> memref<400xi32, #tpu.memory_space<hbm>>
          tpu.wait_dma2 semaphore(%run_scoped3A : memref<!tpu.dma_semaphore, #tpu.memory_space<semaphore_mem>>) src(%dma_wait3A_46 : memref<400xi32, #tpu.memory_space<hbm>>) dst(%arg8 : memref<400xi32, #tpu.memory_space<vmem>>)
          tpu.yield
        }) : () -> ()
        %add3A_19 = arith.constant 400000 : i32
        %add3A_20 = arith.addi %multiple_of3A, %add3A_19 : i32
        "tpu.region"() ({
          %run_scoped3A = tpu.sem_alloc : memref<!tpu.dma_semaphore, #tpu.memory_space<semaphore_mem>>
          %dma_start3A_43 = tpu.memref_slice %arg4[%add3A_20] : memref<800000xi32, #tpu.memory_space<hbm>> -> memref<400xi32, #tpu.memory_space<hbm>>
          %dma_start3A_44 = tpu.memref_slice %arg4[%add3A_20] : memref<800000xi32, #tpu.memory_space<hbm>> -> memref<400xi32, #tpu.memory_space<hbm>>
          tpu.enqueue_dma source(%dma_start3A_44 : memref<400xi32, #tpu.memory_space<hbm>>) target(%arg9 : memref<400xi32, #tpu.memory_space<vmem>>) target_semaphore(%run_scoped3A : memref<!tpu.dma_semaphore, #tpu.memory_space<semaphore_mem>>)
          %dma_wait3A_45 = tpu.memref_slice %arg4[%add3A_20] : memref<800000xi32, #tpu.memory_space<hbm>> -> memref<400xi32, #tpu.memory_space<hbm>>
          %dma_wait3A_46 = tpu.memref_slice %arg4[%add3A_20] : memref<800000xi32, #tpu.memory_space<hbm>> -> memref<400xi32, #tpu.memory_space<hbm>>
          tpu.wait_dma2 semaphore(%run_scoped3A : memref<!tpu.dma_semaphore, #tpu.memory_space<semaphore_mem>>) src(%dma_wait3A_46 : memref<400xi32, #tpu.memory_space<hbm>>) dst(%arg9 : memref<400xi32, #tpu.memory_space<vmem>>)
          tpu.yield
        }) : () -> ()
        %dma_start3A = arith.constant 0 : i32
        %dma_start3A_21 = arith.constant 0 : i32
        %dma_start3A_22 = tpu.memref_slice %arg2[%dma_start3A, %dma_start3A_21] : memref<50000x32xf32, #tpu.memory_space<hbm>> -> memref<50000x32xf32, #tpu.memory_space<hbm>>
        tpu.enqueue_indirect_dma source(%dma_start3A_22 : memref<50000x32xf32, #tpu.memory_space<hbm>>) target(%arg10 : memref<400x32xf32, #tpu.memory_space<vmem>>) offsets(%arg6 : memref<400xi32, #tpu.memory_space<vmem>>) semaphore(%arg14 : memref<!tpu.dma_semaphore, #tpu.memory_space<semaphore_mem>>)
        %dma_start3A_23 = arith.constant 0 : i32
        %dma_start3A_24 = arith.constant 0 : i32
        %dma_start3A_25 = tpu.memref_slice %arg2[%dma_start3A_23, %dma_start3A_24] : memref<50000x32xf32, #tpu.memory_space<hbm>> -> memref<50000x32xf32, #tpu.memory_space<hbm>>
        tpu.enqueue_indirect_dma source(%dma_start3A_25 : memref<50000x32xf32, #tpu.memory_space<hbm>>) target(%arg11 : memref<400x32xf32, #tpu.memory_space<vmem>>) offsets(%arg7 : memref<400xi32, #tpu.memory_space<vmem>>) semaphore(%arg14 : memref<!tpu.dma_semaphore, #tpu.memory_space<semaphore_mem>>)
        %dma_start3A_26 = arith.constant 0 : i32
        %dma_start3A_27 = arith.constant 0 : i32
        %dma_start3A_28 = tpu.memref_slice %arg2[%dma_start3A_26, %dma_start3A_27] : memref<50000x32xf32, #tpu.memory_space<hbm>> -> memref<50000x32xf32, #tpu.memory_space<hbm>>
        tpu.enqueue_indirect_dma source(%dma_start3A_28 : memref<50000x32xf32, #tpu.memory_space<hbm>>) target(%arg12 : memref<400x32xf32, #tpu.memory_space<vmem>>) offsets(%arg8 : memref<400xi32, #tpu.memory_space<vmem>>) semaphore(%arg14 : memref<!tpu.dma_semaphore, #tpu.memory_space<semaphore_mem>>)
        %dma_start3A_29 = arith.constant 0 : i32
        %dma_start3A_30 = arith.constant 0 : i32
        %dma_start3A_31 = tpu.memref_slice %arg2[%dma_start3A_29, %dma_start3A_30] : memref<50000x32xf32, #tpu.memory_space<hbm>> -> memref<50000x32xf32, #tpu.memory_space<hbm>>
        tpu.enqueue_indirect_dma source(%dma_start3A_31 : memref<50000x32xf32, #tpu.memory_space<hbm>>) target(%arg13 : memref<400x32xf32, #tpu.memory_space<vmem>>) offsets(%arg9 : memref<400xi32, #tpu.memory_space<vmem>>) semaphore(%arg14 : memref<!tpu.dma_semaphore, #tpu.memory_space<semaphore_mem>>)
        %dma_wait3A = arith.constant 0 : i32
        %dma_wait3A_32 = arith.constant 0 : i32
        %dma_wait3A_33 = tpu.memref_slice %arg2[%dma_wait3A, %dma_wait3A_32] : memref<50000x32xf32, #tpu.memory_space<hbm>> -> memref<50000x32xf32, #tpu.memory_space<hbm>>
        tpu.wait_indirect_dma semaphore(%arg14 : memref<!tpu.dma_semaphore, #tpu.memory_space<semaphore_mem>>) src(%dma_wait3A_33 : memref<50000x32xf32, #tpu.memory_space<hbm>>) dst(%arg10 : memref<400x32xf32, #tpu.memory_space<vmem>>)
        %dma_wait3A_34 = arith.constant 0 : i32
        %dma_wait3A_35 = arith.constant 0 : i32
        %dma_wait3A_36 = tpu.memref_slice %arg2[%dma_wait3A_34, %dma_wait3A_35] : memref<50000x32xf32, #tpu.memory_space<hbm>> -> memref<50000x32xf32, #tpu.memory_space<hbm>>
        tpu.wait_indirect_dma semaphore(%arg14 : memref<!tpu.dma_semaphore, #tpu.memory_space<semaphore_mem>>) src(%dma_wait3A_36 : memref<50000x32xf32, #tpu.memory_space<hbm>>) dst(%arg11 : memref<400x32xf32, #tpu.memory_space<vmem>>)
        %dma_wait3A_37 = arith.constant 0 : i32
        %dma_wait3A_38 = arith.constant 0 : i32
        %dma_wait3A_39 = tpu.memref_slice %arg2[%dma_wait3A_37, %dma_wait3A_38] : memref<50000x32xf32, #tpu.memory_space<hbm>> -> memref<50000x32xf32, #tpu.memory_space<hbm>>
        tpu.wait_indirect_dma semaphore(%arg14 : memref<!tpu.dma_semaphore, #tpu.memory_space<semaphore_mem>>) src(%dma_wait3A_39 : memref<50000x32xf32, #tpu.memory_space<hbm>>) dst(%arg12 : memref<400x32xf32, #tpu.memory_space<vmem>>)
        %dma_wait3A_40 = arith.constant 0 : i32
        %dma_wait3A_41 = arith.constant 0 : i32
        %dma_wait3A_42 = tpu.memref_slice %arg2[%dma_wait3A_40, %dma_wait3A_41] : memref<50000x32xf32, #tpu.memory_space<hbm>> -> memref<50000x32xf32, #tpu.memory_space<hbm>>
        tpu.wait_indirect_dma semaphore(%arg14 : memref<!tpu.dma_semaphore, #tpu.memory_space<semaphore_mem>>) src(%dma_wait3A_42 : memref<50000x32xf32, #tpu.memory_space<hbm>>) dst(%arg13 : memref<400x32xf32, #tpu.memory_space<vmem>>)
        "tpu.region"() ({
          %run_scoped3A = tpu.sem_alloc : memref<!tpu.dma_semaphore, #tpu.memory_space<semaphore_mem>>
          %dma_start3A_43 = arith.constant 0 : i32
          %dma_start3A_44 = tpu.memref_slice %arg5[%multiple_of3A, %dma_start3A_43] : memref<400000x128xf32, #tpu.memory_space<hbm>> -> memref<400x32xf32, #tpu.memory_space<hbm>>
          %dma_start3A_45 = arith.constant 0 : i32
          %dma_start3A_46 = tpu.memref_slice %arg5[%multiple_of3A, %dma_start3A_45] : memref<400000x128xf32, #tpu.memory_space<hbm>> -> memref<400x32xf32, #tpu.memory_space<hbm>>
          tpu.enqueue_dma source(%arg10 : memref<400x32xf32, #tpu.memory_space<vmem>>) target(%dma_start3A_46 : memref<400x32xf32, #tpu.memory_space<hbm>>) target_semaphore(%run_scoped3A : memref<!tpu.dma_semaphore, #tpu.memory_space<semaphore_mem>>)
          %dma_wait3A_47 = arith.constant 0 : i32
          %dma_wait3A_48 = tpu.memref_slice %arg5[%multiple_of3A, %dma_wait3A_47] : memref<400000x128xf32, #tpu.memory_space<hbm>> -> memref<400x32xf32, #tpu.memory_space<hbm>>
          %dma_wait3A_49 = arith.constant 0 : i32
          %dma_wait3A_50 = tpu.memref_slice %arg5[%multiple_of3A, %dma_wait3A_49] : memref<400000x128xf32, #tpu.memory_space<hbm>> -> memref<400x32xf32, #tpu.memory_space<hbm>>
          tpu.wait_dma2 semaphore(%run_scoped3A : memref<!tpu.dma_semaphore, #tpu.memory_space<semaphore_mem>>) src(%arg10 : memref<400x32xf32, #tpu.memory_space<vmem>>) dst(%dma_wait3A_50 : memref<400x32xf32, #tpu.memory_space<hbm>>)
          tpu.yield
        }) : () -> ()
        "tpu.region"() ({
          %run_scoped3A = tpu.sem_alloc : memref<!tpu.dma_semaphore, #tpu.memory_space<semaphore_mem>>
          %dma_start3A_43 = arith.constant 32 : i32
          %dma_start3A_44 = tpu.memref_slice %arg5[%multiple_of3A, %dma_start3A_43] : memref<400000x128xf32, #tpu.memory_space<hbm>> -> memref<400x32xf32, #tpu.memory_space<hbm>>
          %dma_start3A_45 = arith.constant 32 : i32
          %dma_start3A_46 = tpu.memref_slice %arg5[%multiple_of3A, %dma_start3A_45] : memref<400000x128xf32, #tpu.memory_space<hbm>> -> memref<400x32xf32, #tpu.memory_space<hbm>>
          tpu.enqueue_dma source(%arg12 : memref<400x32xf32, #tpu.memory_space<vmem>>) target(%dma_start3A_46 : memref<400x32xf32, #tpu.memory_space<hbm>>) target_semaphore(%run_scoped3A : memref<!tpu.dma_semaphore, #tpu.memory_space<semaphore_mem>>)
          %dma_wait3A_47 = arith.constant 32 : i32
          %dma_wait3A_48 = tpu.memref_slice %arg5[%multiple_of3A, %dma_wait3A_47] : memref<400000x128xf32, #tpu.memory_space<hbm>> -> memref<400x32xf32, #tpu.memory_space<hbm>>
          %dma_wait3A_49 = arith.constant 32 : i32
          %dma_wait3A_50 = tpu.memref_slice %arg5[%multiple_of3A, %dma_wait3A_49] : memref<400000x128xf32, #tpu.memory_space<hbm>> -> memref<400x32xf32, #tpu.memory_space<hbm>>
          tpu.wait_dma2 semaphore(%run_scoped3A : memref<!tpu.dma_semaphore, #tpu.memory_space<semaphore_mem>>) src(%arg12 : memref<400x32xf32, #tpu.memory_space<vmem>>) dst(%dma_wait3A_50 : memref<400x32xf32, #tpu.memory_space<hbm>>)
          tpu.yield
        }) : () -> ()
        "tpu.region"() ({
          %run_scoped3A = tpu.sem_alloc : memref<!tpu.dma_semaphore, #tpu.memory_space<semaphore_mem>>
          %dma_start3A_43 = arith.constant 64 : i32
          %dma_start3A_44 = tpu.memref_slice %arg5[%multiple_of3A, %dma_start3A_43] : memref<400000x128xf32, #tpu.memory_space<hbm>> -> memref<400x32xf32, #tpu.memory_space<hbm>>
          %dma_start3A_45 = arith.constant 64 : i32
          %dma_start3A_46 = tpu.memref_slice %arg5[%multiple_of3A, %dma_start3A_45] : memref<400000x128xf32, #tpu.memory_space<hbm>> -> memref<400x32xf32, #tpu.memory_space<hbm>>
          tpu.enqueue_dma source(%arg11 : memref<400x32xf32, #tpu.memory_space<vmem>>) target(%dma_start3A_46 : memref<400x32xf32, #tpu.memory_space<hbm>>) target_semaphore(%run_scoped3A : memref<!tpu.dma_semaphore, #tpu.memory_space<semaphore_mem>>)
          %dma_wait3A_47 = arith.constant 64 : i32
          %dma_wait3A_48 = tpu.memref_slice %arg5[%multiple_of3A, %dma_wait3A_47] : memref<400000x128xf32, #tpu.memory_space<hbm>> -> memref<400x32xf32, #tpu.memory_space<hbm>>
          %dma_wait3A_49 = arith.constant 64 : i32
          %dma_wait3A_50 = tpu.memref_slice %arg5[%multiple_of3A, %dma_wait3A_49] : memref<400000x128xf32, #tpu.memory_space<hbm>> -> memref<400x32xf32, #tpu.memory_space<hbm>>
          tpu.wait_dma2 semaphore(%run_scoped3A : memref<!tpu.dma_semaphore, #tpu.memory_space<semaphore_mem>>) src(%arg11 : memref<400x32xf32, #tpu.memory_space<vmem>>) dst(%dma_wait3A_50 : memref<400x32xf32, #tpu.memory_space<hbm>>)
          tpu.yield
        }) : () -> ()
        "tpu.region"() ({
          %run_scoped3A = tpu.sem_alloc : memref<!tpu.dma_semaphore, #tpu.memory_space<semaphore_mem>>
          %dma_start3A_43 = arith.constant 96 : i32
          %dma_start3A_44 = tpu.memref_slice %arg5[%multiple_of3A, %dma_start3A_43] : memref<400000x128xf32, #tpu.memory_space<hbm>> -> memref<400x32xf32, #tpu.memory_space<hbm>>
          %dma_start3A_45 = arith.constant 96 : i32
          %dma_start3A_46 = tpu.memref_slice %arg5[%multiple_of3A, %dma_start3A_45] : memref<400000x128xf32, #tpu.memory_space<hbm>> -> memref<400x32xf32, #tpu.memory_space<hbm>>
          tpu.enqueue_dma source(%arg13 : memref<400x32xf32, #tpu.memory_space<vmem>>) target(%dma_start3A_46 : memref<400x32xf32, #tpu.memory_space<hbm>>) target_semaphore(%run_scoped3A : memref<!tpu.dma_semaphore, #tpu.memory_space<semaphore_mem>>)
          %dma_wait3A_47 = arith.constant 96 : i32
          %dma_wait3A_48 = tpu.memref_slice %arg5[%multiple_of3A, %dma_wait3A_47] : memref<400000x128xf32, #tpu.memory_space<hbm>> -> memref<400x32xf32, #tpu.memory_space<hbm>>
          %dma_wait3A_49 = arith.constant 96 : i32
          %dma_wait3A_50 = tpu.memref_slice %arg5[%multiple_of3A, %dma_wait3A_49] : memref<400000x128xf32, #tpu.memory_space<hbm>> -> memref<400x32xf32, #tpu.memory_space<hbm>>
          tpu.wait_dma2 semaphore(%run_scoped3A : memref<!tpu.dma_semaphore, #tpu.memory_space<semaphore_mem>>) src(%arg13 : memref<400x32xf32, #tpu.memory_space<vmem>>) dst(%dma_wait3A_50 : memref<400x32xf32, #tpu.memory_space<hbm>>)
          tpu.yield
        }) : () -> ()
      } else {
      }
      %scan3A_14 = arith.constant 0 : i32
      scf.yield %scan3A_14 : i32
    }
    %scan3A_6 = arith.constant 32 : i32
    return
  }
}

module attributes {stable_mosaic.version = 14 : i64} {
  func.func @_tc_mlp_body(%arg0: i32, %arg1: memref<4000x128xf32, #tpu.memory_space<vmem>>, %arg2: memref<128x128xf32, #tpu.memory_space<vmem>>, %arg3: memref<1x128xf32, #tpu.memory_space<vmem>>, %arg4: memref<128x128xf32, #tpu.memory_space<vmem>>, %arg5: memref<1x128xf32, #tpu.memory_space<vmem>>, %arg6: memref<2x4000x64xf32, #tpu.memory_space<vmem>>) attributes {dimension_semantics = [#tpu.dimension_semantics<arbitrary>], iteration_bounds = array<i64: 100>, scalar_prefetch = 0 : i64, scratch_operands = 0 : i64, tpu.core_type = #tpu.core_type<tc>, window_params = [{transform_indices = @transform_0, window_bounds = array<i64: 4000, 128>}, {pipeline_mode = #tpu.pipeline_mode<synchronous>, transform_indices = @transform_1, window_bounds = array<i64: 128, 128>}, {pipeline_mode = #tpu.pipeline_mode<synchronous>, transform_indices = @transform_2, window_bounds = array<i64: 1, 128>}, {pipeline_mode = #tpu.pipeline_mode<synchronous>, transform_indices = @transform_3, window_bounds = array<i64: 128, 128>}, {pipeline_mode = #tpu.pipeline_mode<synchronous>, transform_indices = @transform_4, window_bounds = array<i64: 1, 128>}, {transform_indices = @transform_5, window_bounds = array<i64: 2, 4000, 64>}]} {
    %get3A = arith.constant 0 : index
    %get3A_0 = arith.constant 0 : index
    %get3A_1 = vector.load %arg1[%get3A, %get3A_0] : memref<4000x128xf32, #tpu.memory_space<vmem>>, vector<4000x128xf32>
    %slice3A = vector.extract_strided_slice %get3A_1 {offsets = [0, 31], sizes = [4000, 1], strides = [1, 1]} : vector<4000x128xf32> to vector<4000x1xf32>
    %bitcast_convert_type3A = tpu.bitcast %slice3A : vector<4000x1xf32> -> vector<4000x1xi32>
    %and3A = arith.constant -65536 : i32
    %and3A_2 = vector.broadcast %and3A : i32 to vector<4000x1xi32>
    %and3A_3 = arith.andi %bitcast_convert_type3A, %and3A_2 : vector<4000x1xi32>
    %bitcast_convert_type3A_4 = tpu.bitcast %and3A_3 : vector<4000x1xi32> -> vector<4000x1xf32>
    %shift_left3A = arith.constant 16 : i32
    %shift_left3A_5 = vector.broadcast %shift_left3A : i32 to vector<4000x1xi32>
    %shift_left3A_6 = arith.shli %bitcast_convert_type3A, %shift_left3A_5 : vector<4000x1xi32>
    %bitcast_convert_type3A_7 = tpu.bitcast %shift_left3A_6 : vector<4000x1xi32> -> vector<4000x1xf32>
    %slice3A_8 = vector.extract_strided_slice %get3A_1 {offsets = [0, 63], sizes = [4000, 1], strides = [1, 1]} : vector<4000x128xf32> to vector<4000x1xf32>
    %bitcast_convert_type3A_9 = tpu.bitcast %slice3A_8 : vector<4000x1xf32> -> vector<4000x1xi32>
    %and3A_10 = arith.constant -65536 : i32
    %and3A_11 = vector.broadcast %and3A_10 : i32 to vector<4000x1xi32>
    %and3A_12 = arith.andi %bitcast_convert_type3A_9, %and3A_11 : vector<4000x1xi32>
    %bitcast_convert_type3A_13 = tpu.bitcast %and3A_12 : vector<4000x1xi32> -> vector<4000x1xf32>
    %shift_left3A_14 = arith.constant 16 : i32
    %shift_left3A_15 = vector.broadcast %shift_left3A_14 : i32 to vector<4000x1xi32>
    %shift_left3A_16 = arith.shli %bitcast_convert_type3A_9, %shift_left3A_15 : vector<4000x1xi32>
    %bitcast_convert_type3A_17 = tpu.bitcast %shift_left3A_16 : vector<4000x1xi32> -> vector<4000x1xf32>
    %slice3A_18 = vector.extract_strided_slice %get3A_1 {offsets = [0, 95], sizes = [4000, 1], strides = [1, 1]} : vector<4000x128xf32> to vector<4000x1xf32>
    %bitcast_convert_type3A_19 = tpu.bitcast %slice3A_18 : vector<4000x1xf32> -> vector<4000x1xi32>
    %and3A_20 = arith.constant -65536 : i32
    %and3A_21 = vector.broadcast %and3A_20 : i32 to vector<4000x1xi32>
    %and3A_22 = arith.andi %bitcast_convert_type3A_19, %and3A_21 : vector<4000x1xi32>
    %bitcast_convert_type3A_23 = tpu.bitcast %and3A_22 : vector<4000x1xi32> -> vector<4000x1xf32>
    %shift_left3A_24 = arith.constant 16 : i32
    %shift_left3A_25 = vector.broadcast %shift_left3A_24 : i32 to vector<4000x1xi32>
    %shift_left3A_26 = arith.shli %bitcast_convert_type3A_19, %shift_left3A_25 : vector<4000x1xi32>
    %bitcast_convert_type3A_27 = tpu.bitcast %shift_left3A_26 : vector<4000x1xi32> -> vector<4000x1xf32>
    %slice3A_28 = vector.extract_strided_slice %get3A_1 {offsets = [0, 127], sizes = [4000, 1], strides = [1, 1]} : vector<4000x128xf32> to vector<4000x1xf32>
    %bitcast_convert_type3A_29 = tpu.bitcast %slice3A_28 : vector<4000x1xf32> -> vector<4000x1xi32>
    %and3A_30 = arith.constant -65536 : i32
    %and3A_31 = vector.broadcast %and3A_30 : i32 to vector<4000x1xi32>
    %and3A_32 = arith.andi %bitcast_convert_type3A_29, %and3A_31 : vector<4000x1xi32>
    %bitcast_convert_type3A_33 = tpu.bitcast %and3A_32 : vector<4000x1xi32> -> vector<4000x1xf32>
    %shift_left3A_34 = arith.constant 16 : i32
    %shift_left3A_35 = vector.broadcast %shift_left3A_34 : i32 to vector<4000x1xi32>
    %shift_left3A_36 = arith.shli %bitcast_convert_type3A_29, %shift_left3A_35 : vector<4000x1xi32>
    %bitcast_convert_type3A_37 = tpu.bitcast %shift_left3A_36 : vector<4000x1xi32> -> vector<4000x1xf32>
    %sub3A = arith.subf %bitcast_convert_type3A_4, %bitcast_convert_type3A_13 : vector<4000x1xf32>
    %gt3A = arith.constant 3.000000e+00 : f32
    %gt3A_38 = vector.broadcast %gt3A : f32 to vector<4000x1xf32>
    %gt3A_39 = arith.cmpf ogt, %sub3A, %gt3A_38 : vector<4000x1xf32>
    %sub3A_40 = arith.constant 6.000000e+00 : f32
    %sub3A_41 = vector.broadcast %sub3A_40 : f32 to vector<4000x1xf32>
    %sub3A_42 = arith.subf %sub3A, %sub3A_41 : vector<4000x1xf32>
    %select_n3A = arith.select %gt3A_39, %sub3A_42, %sub3A : vector<4000x1xi1>, vector<4000x1xf32>
    %le3A = arith.constant -3.000000e+00 : f32
    %le3A_43 = vector.broadcast %le3A : f32 to vector<4000x1xf32>
    %le3A_44 = arith.cmpf ole, %select_n3A, %le3A_43 : vector<4000x1xf32>
    %add3A = arith.constant 6.000000e+00 : f32
    %add3A_45 = vector.broadcast %add3A : f32 to vector<4000x1xf32>
    %add3A_46 = arith.addf %select_n3A, %add3A_45 : vector<4000x1xf32>
    %select_n3A_47 = arith.select %le3A_44, %add3A_46, %select_n3A : vector<4000x1xi1>, vector<4000x1xf32>
    %sub3A_48 = arith.subf %bitcast_convert_type3A_7, %bitcast_convert_type3A_17 : vector<4000x1xf32>
    %gt3A_49 = arith.constant 3.000000e+00 : f32
    %gt3A_50 = vector.broadcast %gt3A_49 : f32 to vector<4000x1xf32>
    %gt3A_51 = arith.cmpf ogt, %sub3A_48, %gt3A_50 : vector<4000x1xf32>
    %sub3A_52 = arith.constant 6.000000e+00 : f32
    %sub3A_53 = vector.broadcast %sub3A_52 : f32 to vector<4000x1xf32>
    %sub3A_54 = arith.subf %sub3A_48, %sub3A_53 : vector<4000x1xf32>
    %select_n3A_55 = arith.select %gt3A_51, %sub3A_54, %sub3A_48 : vector<4000x1xi1>, vector<4000x1xf32>
    %le3A_56 = arith.constant -3.000000e+00 : f32
    %le3A_57 = vector.broadcast %le3A_56 : f32 to vector<4000x1xf32>
    %le3A_58 = arith.cmpf ole, %select_n3A_55, %le3A_57 : vector<4000x1xf32>
    %add3A_59 = arith.constant 6.000000e+00 : f32
    %add3A_60 = vector.broadcast %add3A_59 : f32 to vector<4000x1xf32>
    %add3A_61 = arith.addf %select_n3A_55, %add3A_60 : vector<4000x1xf32>
    %select_n3A_62 = arith.select %le3A_58, %add3A_61, %select_n3A_55 : vector<4000x1xi1>, vector<4000x1xf32>
    %sub3A_63 = arith.subf %bitcast_convert_type3A_23, %bitcast_convert_type3A_33 : vector<4000x1xf32>
    %gt3A_64 = arith.constant 3.000000e+00 : f32
    %gt3A_65 = vector.broadcast %gt3A_64 : f32 to vector<4000x1xf32>
    %gt3A_66 = arith.cmpf ogt, %sub3A_63, %gt3A_65 : vector<4000x1xf32>
    %sub3A_67 = arith.constant 6.000000e+00 : f32
    %sub3A_68 = vector.broadcast %sub3A_67 : f32 to vector<4000x1xf32>
    %sub3A_69 = arith.subf %sub3A_63, %sub3A_68 : vector<4000x1xf32>
    %select_n3A_70 = arith.select %gt3A_66, %sub3A_69, %sub3A_63 : vector<4000x1xi1>, vector<4000x1xf32>
    %le3A_71 = arith.constant -3.000000e+00 : f32
    %le3A_72 = vector.broadcast %le3A_71 : f32 to vector<4000x1xf32>
    %le3A_73 = arith.cmpf ole, %select_n3A_70, %le3A_72 : vector<4000x1xf32>
    %add3A_74 = arith.constant 6.000000e+00 : f32
    %add3A_75 = vector.broadcast %add3A_74 : f32 to vector<4000x1xf32>
    %add3A_76 = arith.addf %select_n3A_70, %add3A_75 : vector<4000x1xf32>
    %select_n3A_77 = arith.select %le3A_73, %add3A_76, %select_n3A_70 : vector<4000x1xi1>, vector<4000x1xf32>
    %sub3A_78 = arith.subf %bitcast_convert_type3A_27, %bitcast_convert_type3A_37 : vector<4000x1xf32>
    %gt3A_79 = arith.constant 3.000000e+00 : f32
    %gt3A_80 = vector.broadcast %gt3A_79 : f32 to vector<4000x1xf32>
    %gt3A_81 = arith.cmpf ogt, %sub3A_78, %gt3A_80 : vector<4000x1xf32>
    %sub3A_82 = arith.constant 6.000000e+00 : f32
    %sub3A_83 = vector.broadcast %sub3A_82 : f32 to vector<4000x1xf32>
    %sub3A_84 = arith.subf %sub3A_78, %sub3A_83 : vector<4000x1xf32>
    %select_n3A_85 = arith.select %gt3A_81, %sub3A_84, %sub3A_78 : vector<4000x1xi1>, vector<4000x1xf32>
    %le3A_86 = arith.constant -3.000000e+00 : f32
    %le3A_87 = vector.broadcast %le3A_86 : f32 to vector<4000x1xf32>
    %le3A_88 = arith.cmpf ole, %select_n3A_85, %le3A_87 : vector<4000x1xf32>
    %add3A_89 = arith.constant 6.000000e+00 : f32
    %add3A_90 = vector.broadcast %add3A_89 : f32 to vector<4000x1xf32>
    %add3A_91 = arith.addf %select_n3A_85, %add3A_90 : vector<4000x1xf32>
    %select_n3A_92 = arith.select %le3A_88, %add3A_91, %select_n3A_85 : vector<4000x1xi1>, vector<4000x1xf32>
    %iota3A = tpu.iota {dimensions = array<i32: 1>} : vector<4000x128xi32>
    %eq3A = arith.constant 31 : i32
    %eq3A_93 = vector.broadcast %eq3A : i32 to vector<4000x128xi32>
    %eq3A_94 = arith.cmpi eq, %iota3A, %eq3A_93 : vector<4000x128xi32>
    %broadcast_in_dim3A = vector.shape_cast %select_n3A_47 : vector<4000x1xf32> to vector<4000x1xf32>
    %broadcast_in_dim3A_95 = vector.broadcast %broadcast_in_dim3A : vector<4000x1xf32> to vector<4000x128xf32>
    %select_n3A_96 = arith.select %eq3A_94, %broadcast_in_dim3A_95, %get3A_1 : vector<4000x128xi1>, vector<4000x128xf32>
    %eq3A_97 = arith.constant 63 : i32
    %eq3A_98 = vector.broadcast %eq3A_97 : i32 to vector<4000x128xi32>
    %eq3A_99 = arith.cmpi eq, %iota3A, %eq3A_98 : vector<4000x128xi32>
    %broadcast_in_dim3A_100 = vector.shape_cast %select_n3A_62 : vector<4000x1xf32> to vector<4000x1xf32>
    %broadcast_in_dim3A_101 = vector.broadcast %broadcast_in_dim3A_100 : vector<4000x1xf32> to vector<4000x128xf32>
    %select_n3A_102 = arith.select %eq3A_99, %broadcast_in_dim3A_101, %select_n3A_96 : vector<4000x128xi1>, vector<4000x128xf32>
    %eq3A_103 = arith.constant 95 : i32
    %eq3A_104 = vector.broadcast %eq3A_103 : i32 to vector<4000x128xi32>
    %eq3A_105 = arith.cmpi eq, %iota3A, %eq3A_104 : vector<4000x128xi32>
    %broadcast_in_dim3A_106 = vector.shape_cast %select_n3A_77 : vector<4000x1xf32> to vector<4000x1xf32>
    %broadcast_in_dim3A_107 = vector.broadcast %broadcast_in_dim3A_106 : vector<4000x1xf32> to vector<4000x128xf32>
    %select_n3A_108 = arith.select %eq3A_105, %broadcast_in_dim3A_107, %select_n3A_102 : vector<4000x128xi1>, vector<4000x128xf32>
    %eq3A_109 = arith.constant 127 : i32
    %eq3A_110 = vector.broadcast %eq3A_109 : i32 to vector<4000x128xi32>
    %eq3A_111 = arith.cmpi eq, %iota3A, %eq3A_110 : vector<4000x128xi32>
    %broadcast_in_dim3A_112 = vector.shape_cast %select_n3A_92 : vector<4000x1xf32> to vector<4000x1xf32>
    %broadcast_in_dim3A_113 = vector.broadcast %broadcast_in_dim3A_112 : vector<4000x1xf32> to vector<4000x128xf32>
    %select_n3A_114 = arith.select %eq3A_111, %broadcast_in_dim3A_113, %select_n3A_108 : vector<4000x128xi1>, vector<4000x128xf32>
    %get3A_115 = arith.constant 0 : index
    %get3A_116 = arith.constant 0 : index
    %get3A_117 = vector.load %arg2[%get3A_115, %get3A_116] : memref<128x128xf32, #tpu.memory_space<vmem>>, vector<128x128xf32>
    %dot_general3A = arith.constant dense<0.000000e+00> : vector<4000x128xf32>
    %dot_general3A_118 = tpu.matmul %select_n3A_114, %get3A_117, %dot_general3A {dimension_numbers = #tpu.dot_dimension_numbers<[1], [0], [0], [1], [0, 0, 1, 1], [], []>, transpose_lhs_hint = false} : vector<4000x128xf32>, vector<128x128xf32>, vector<4000x128xf32> -> vector<4000x128xf32>
    %get3A_119 = arith.constant 0 : index
    %get3A_120 = arith.constant 0 : index
    %get3A_121 = vector.load %arg3[%get3A_119, %get3A_120] : memref<1x128xf32, #tpu.memory_space<vmem>>, vector<1x128xf32>
    %add3A_122 = vector.broadcast %get3A_121 : vector<1x128xf32> to vector<4000x128xf32>
    %add3A_123 = arith.addf %dot_general3A_118, %add3A_122 : vector<4000x128xf32>
    %max3A = arith.constant 0.000000e+00 : f32
    %max3A_124 = vector.broadcast %max3A : f32 to vector<4000x128xf32>
    %max3A_125 = arith.maximumf %add3A_123, %max3A_124 : vector<4000x128xf32>
    %get3A_126 = arith.constant 0 : index
    %get3A_127 = arith.constant 0 : index
    %get3A_128 = vector.load %arg4[%get3A_126, %get3A_127] : memref<128x128xf32, #tpu.memory_space<vmem>>, vector<128x128xf32>
    %dot_general3A_129 = arith.constant dense<0.000000e+00> : vector<4000x128xf32>
    %dot_general3A_130 = tpu.matmul %max3A_125, %get3A_128, %dot_general3A_129 {dimension_numbers = #tpu.dot_dimension_numbers<[1], [0], [0], [1], [0, 0, 1, 1], [], []>, transpose_lhs_hint = false} : vector<4000x128xf32>, vector<128x128xf32>, vector<4000x128xf32> -> vector<4000x128xf32>
    %get3A_131 = arith.constant 0 : index
    %get3A_132 = arith.constant 0 : index
    %get3A_133 = vector.load %arg5[%get3A_131, %get3A_132] : memref<1x128xf32, #tpu.memory_space<vmem>>, vector<1x128xf32>
    %add3A_134 = vector.broadcast %get3A_133 : vector<1x128xf32> to vector<4000x128xf32>
    %add3A_135 = arith.addf %dot_general3A_130, %add3A_134 : vector<4000x128xf32>
    %max3A_136 = arith.constant 0.000000e+00 : f32
    %max3A_137 = vector.broadcast %max3A_136 : f32 to vector<4000x128xf32>
    %max3A_138 = arith.maximumf %add3A_135, %max3A_137 : vector<4000x128xf32>
    %slice3A_139 = vector.extract_strided_slice %max3A_138 {offsets = [0, 0], sizes = [4000, 64], strides = [1, 1]} : vector<4000x128xf32> to vector<4000x64xf32>
    %swap3A = arith.constant 0 : index
    %swap3A_140 = arith.constant 0 : index
    %swap3A_141 = arith.constant 0 : index
    %swap3A_142 = vector.load %arg6[%swap3A, %swap3A_140, %swap3A_141] : memref<2x4000x64xf32, #tpu.memory_space<vmem>>, vector<1x4000x64xf32>
    %swap3A_143 = vector.shape_cast %swap3A_142 : vector<1x4000x64xf32> to vector<4000x64xf32>
    %swap3A_144 = vector.shape_cast %slice3A_139 : vector<4000x64xf32> to vector<1x4000x64xf32>
    tpu.vector_store %arg6[%swap3A, %swap3A_140, %swap3A_141], %swap3A_144 {strides = array<i32>} : memref<2x4000x64xf32, #tpu.memory_space<vmem>>, vector<1x4000x64xf32>,
    %slice3A_145 = vector.extract_strided_slice %max3A_138 {offsets = [0, 64], sizes = [4000, 64], strides = [1, 1]} : vector<4000x128xf32> to vector<4000x64xf32>
    %swap3A_146 = arith.constant 1 : index
    %swap3A_147 = arith.constant 0 : index
    %swap3A_148 = arith.constant 0 : index
    %swap3A_149 = vector.load %arg6[%swap3A_146, %swap3A_147, %swap3A_148] : memref<2x4000x64xf32, #tpu.memory_space<vmem>>, vector<1x4000x64xf32>
    %swap3A_150 = vector.shape_cast %swap3A_149 : vector<1x4000x64xf32> to vector<4000x64xf32>
    %swap3A_151 = vector.shape_cast %slice3A_145 : vector<4000x64xf32> to vector<1x4000x64xf32>
    tpu.vector_store %arg6[%swap3A_146, %swap3A_147, %swap3A_148], %swap3A_151 {strides = array<i32>} : memref<2x4000x64xf32, #tpu.memory_space<vmem>>, vector<1x4000x64xf32>,
    return
  }
  func.func @transform_0(%arg0: i32) -> (i32, i32) {
    %c0_i32 = arith.constant 0 : i32
    %c0_i32_0 = arith.constant 0 : i32
    return %arg0, %c0_i32 : i32, i32
  }
  func.func @transform_1(%arg0: i32) -> (i32, i32) {
    %c0_i32 = arith.constant 0 : i32
    %c0_i32_0 = arith.constant 0 : i32
    %c0_i32_1 = arith.constant 0 : i32
    return %c0_i32, %c0_i32_0 : i32, i32
  }
  func.func @transform_2(%arg0: i32) -> (i32, i32) {
    %c0_i32 = arith.constant 0 : i32
    %c0_i32_0 = arith.constant 0 : i32
    %c0_i32_1 = arith.constant 0 : i32
    return %c0_i32, %c0_i32_0 : i32, i32
  }
  func.func @transform_3(%arg0: i32) -> (i32, i32) {
    %c0_i32 = arith.constant 0 : i32
    %c0_i32_0 = arith.constant 0 : i32
    %c0_i32_1 = arith.constant 0 : i32
    return %c0_i32, %c0_i32_0 : i32, i32
  }
  func.func @transform_4(%arg0: i32) -> (i32, i32) {
    %c0_i32 = arith.constant 0 : i32
    %c0_i32_0 = arith.constant 0 : i32
    %c0_i32_1 = arith.constant 0 : i32
    return %c0_i32, %c0_i32_0 : i32, i32
  }
  func.func @transform_5(%arg0: i32) -> (i32, i32, i32) {
    %c0_i32 = arith.constant 0 : i32
    %c0_i32_0 = arith.constant 0 : i32
    %c0_i32_1 = arith.constant 0 : i32
    return %c0_i32, %arg0, %c0_i32_0 : i32, i32, i32
  }
}

</mosaic_0001>

<sc_bundles>
// kernel: kernel.4.cloned.1.call-start
scs
__scs_entry_jumppad:
0x0: {  	(pc) =	sbr.rel $0x88, $3  }
0x1: {  	(tag) =	ssettag $0x0;
	lr =	simm.s32 $0x1  }
0x2: {  	[smem:$0x3F99] =	sst lr;
	_ =	strace $0xD0000000  }
0x3: {  	_ = 	snop  }
0x4: {  	_ = 	snop  }
0x5: {  	_ = 	snop  }
0x6: {  	_ = 	snop  }
0x7: {  	_ = 	snop  }
__scs_overlays_trampoline_lowered:
0x8: {  	[smem:$0x3FA8] =	sst s0  }
0x9: {  	[smem:$0x3FA9] =	sst s1  }
0xa: {  	[smem:$0x3FAA] =	sst s2  }
0xb: {  	[smem:$0x3FAB] =	sst s3  }
0xc: {  	[smem:$0x3FAC] =	sst s4  }
0xd: {  	[smem:$0x3FAD] =	sst s5  }
0xe: {  	[smem:$0x3FAE] =	sst s6  }
0xf: {  	[smem:$0x3FAF] =	sst s7  }
0x10: {  	[smem:$0x3FB0] =	sst s8  }
0x11: {  	[smem:$0x3FB1] =	sst s9;
	s0 =	simm.s32 @!p0 $0x0  }
0x12: {  	s1 =	sld [smem:$0x3F97];
	s0 =	simm.s32 @p0 $0x1  }
0x13: {  	[smem:$0x3FB2] =	sst s0;
	s0 =	simm.s32 @!p1 $0x0  }
0x14: {  	s2 =	sld [smem:$0x3F96];
	s0 =	simm.s32 @p1 $0x1  }
0x15: {  	[smem:$0x3FB3] =	sst s0;
	s0 =	simm.s32 @!p2 $0x0  }
0x16: {  	s3 =	sld [smem:$0x3FDB];
	s0 =	simm.s32 @p2 $0x1  }
0x17: {  	s4 =	simm.s32 $0x1BF5;
	[smem:$0x3FB5] =	sst s0  }
0x18: {  	s0 =	sld [smem:$0x3F98];
	_ =	swait.ge [sflag:s4], $0x0  }
0x19: {  	s7 =	sld [smem:$0x3F99]  }
0x1a: {  	s8 =	sadd.s32 $0xFFFFE003, lr  }
0x1b: {  	s9 =	sadd.s32 $0xFFFFFEF7, lr;
	s5 =	simm.s32 $0xFFFFFFFF;
	p2 =	slt.u32 s8, $0xFFFFF086  }
0x1c: {  	p1 =	slt.u32 s9, $0xF7A;
	s5 =	simm.s32 @!p2 $0x0  }
0x1d: {  	s5 =	simm.s32 @p1 $0x1;
	p0 =	seq.s32 s7, s2  }
0x1e: {  	s7 =	smul.u32 @!p0 $0xF7A, s2;
	p2 =	seq.s32 @!p0 s5, $0x0  }
0x1f: {  	s9 =	smul.u32 $0xF7A, s1;
	s8 =	simm.s32 @!p0 $0x1BF5;
	p2 =	por !p2, p0  }
0x20: {  	[sflag:s8] =	ssyncset.s32 @!p0 $0xFFFFF086;
	s6 =	sadd.s32 @!p0 s3, s7;
	s7 =	simm.s32 @!p0 $0x108  }
0x21: {  	s3 =	sadd.s32 s3, s9;
	s6 =	sadd.s32 @!p0 $0x88, s6;
	s7 =	simm.s32 @p2 $0x1082  }
0x22: {  	[simem:s7], [sflag:s8] =	dma.local @!p0 [hbm:s6], $0xF7A  }
0x23: {  	s9 =	sor.u32 $0xD0000000, s2;
	s6 =	simm.s32 $0x108;
	_ =	swait.ge @!p0 [sflag:s8], $0x0  }
0x24: {  	s3 =	sadd.s32 $0x88, s3;
	s6 =	simm.s32 @!p1 $0x1082;
	[sflag:s4] =	ssyncset.s32 $0xFFFFF086  }
0x25: {  	[simem:s6], [sflag:s4] =	dma.local [hbm:s3], $0xF7A  }
0x26: {  	[smem:$0x3F99] =	sst s1;
	(tag) =	ssettag s2;
	_ =	strace s9  }
0x27: {  	s1 =	sld [smem:$0x3FA9]  }
0x28: {  	s2 =	sld [smem:$0x3FAA]  }
0x29: {  	s4 =	sld [smem:$0x3FAC]  }
0x2a: {  	p0 =	seq.s32 s5, $0x0;
	s5 =	sld [smem:$0x3FAD]  }
0x2b: {  	s6 =	sld [smem:$0x3FAE]  }
0x2c: {  	s7 =	sld [smem:$0x3FAF]  }
0x2d: {  	s3 =	simm.s32 $0x108;
	s8 =	sld [smem:$0x3FB0]  }
0x2e: {  	s3 =	simm.s32 @!p0 $0x1082;
	s9 =	sld [smem:$0x3FB1]  }
0x2f: {  	lr =	sadd.s32 s0, s3;
	s0 =	sld [smem:$0x3FA8]  }
0x30: {  	s3 =	sld [smem:$0x3FAB]  }
0x31: {  	[smem:$0x3FB4] =	sst s10  }
0x32: {  	s10 =	sld [smem:$0x3FB2];
	_ =	sdelay $0x3  }
0x33: {  	p0 =	seq.s32 s10, $0x1;
	s10 =	sld [smem:$0x3FB4];
	_ =	sdelay $0x3  }
0x34: {  	[smem:$0x3FB4] =	sst s10  }
0x35: {  	s10 =	sld [smem:$0x3FB3];
	_ =	sdelay $0x3  }
0x36: {  	p1 =	seq.s32 s10, $0x1;
	s10 =	sld [smem:$0x3FB4];
	_ =	sdelay $0x3  }
0x37: {  	[smem:$0x3FB4] =	sst s10  }
0x38: {  	s10 =	sld [smem:$0x3FB5]  }
0x39: {  	_ = 	snop;
	(pc) =	sbr.ind lr, $3  }
0x3a: {  	_ = 	snop  }
0x3b: {  	_ = 	snop  }
0x3c: {  	p2 =	seq.s32 s10, $0x1;
	s10 =	sld [smem:$0x3FB4]  }
0x3d: {  	_ =	shalt  }
0x3e: {  	_ =	shalt  }
0x3f: {  	_ =	shalt  }
0x40: {  	_ =	shalt  }
0x41: {  	_ =	shalt  }
0x42: {  	_ =	shalt  }
0x43: {  	_ =	shalt  }
0x44: {  	_ =	shalt  }
0x45: {  	_ =	shalt  }
0x46: {  	_ =	shalt  }
0x47: {  	_ =	shalt  }
0x48: {  	_ =	shalt  }
0x49: {  	_ =	shalt  }
0x4a: {  	_ =	shalt  }
0x4b: {  	_ =	shalt  }
0x4c: {  	_ =	shalt  }
0x4d: {  	_ =	shalt  }
0x4e: {  	_ =	shalt  }
0x4f: {  	_ =	shalt  }
0x50: {  	_ =	shalt  }
0x51: {  	_ =	shalt  }
0x52: {  	_ =	shalt  }
0x53: {  	_ =	shalt  }
0x54: {  	_ =	shalt  }
0x55: {  	_ =	shalt  }
0x56: {  	_ =	shalt  }
0x57: {  	_ =	shalt  }
0x58: {  	_ =	shalt  }
0x59: {  	_ =	shalt  }
0x5a: {  	_ =	shalt  }
0x5b: {  	_ =	shalt  }
0x5c: {  	_ =	shalt  }
0x5d: {  	_ =	shalt  }
0x5e: {  	_ =	shalt  }
0x5f: {  	_ =	shalt  }
0x60: {  	_ =	shalt  }
0x61: {  	_ =	shalt  }
0x62: {  	_ =	shalt  }
0x63: {  	_ =	shalt  }
0x64: {  	_ =	shalt  }
0x65: {  	_ =	shalt  }
0x66: {  	_ =	shalt  }
0x67: {  	_ =	shalt  }
0x68: {  	_ =	shalt  }
0x69: {  	_ =	shalt  }
0x6a: {  	_ =	shalt  }
0x6b: {  	_ =	shalt  }
0x6c: {  	_ =	shalt  }
0x6d: {  	_ =	shalt  }
0x6e: {  	_ =	shalt  }
0x6f: {  	_ =	shalt  }
0x70: {  	_ =	shalt  }
0x71: {  	_ =	shalt  }
0x72: {  	_ =	shalt  }
0x73: {  	_ =	shalt  }
0x74: {  	_ =	shalt  }
0x75: {  	_ =	shalt  }
0x76: {  	_ =	shalt  }
0x77: {  	_ =	shalt  }
0x78: {  	_ =	shalt  }
0x79: {  	_ =	shalt  }
0x7a: {  	_ =	shalt  }
0x7b: {  	_ =	shalt  }
0x7c: {  	_ =	shalt  }
0x7d: {  	_ =	shalt  }
0x7e: {  	_ =	shalt  }
0x7f: {  	_ =	shalt  }
0x80: {  	_ =	shalt  }
0x81: {  	_ =	shalt  }
0x82: {  	_ =	shalt  }
0x83: {  	_ =	shalt  }
0x84: {  	_ =	shalt  }
0x85: {  	_ =	shalt  }
0x86: {  	_ =	shalt  }
0x87: {  	_ =	shalt  }
.Lfunc_end0:
.L_simem_size_0:
called_computation.1_lowered:
.L_overlay_start_0:
0x88: {  	s2 =	sld [smem:$0x3FD9]  }
0x89: {  	s3 =	sld [smem:$0x3FFE];
	_ =	sdelay $0x1  }
0x8a: {  	s1 =	srdreg.scid  }
0x8b: {  	s0 =	sand.u32 $0x1, s1  }
0x8c: {  	s17 =	sshll.u32 s0, $0xA;
	s2 =	sadd.s32 s3, s2  }
0x8d: {  	s2 =	sadd.s32 s2, s17  }
0x8e: {  	[smem:$0x3FC0] =	sst s2  }
0x8f: {  	_ = 	snop  }
0x90: {  	s2 =	sld [smem:$0x3FD0];
	(tm) =	ssettm $0x1  }
0x91: {  	s18 =	sld [smem:$0x3FFB];
	_ =	sdelay $0x3  }
0x92: {  	_ =	strace s18  }
0x93: {  	s3 =	sld [smem:$0x3FFC];
	_ =	sdelay $0x3  }
0x94: {  	_ =	strace s3  }
0x95: {  	s3 =	sld [smem:$0x3FFD];
	_ =	sdelay $0x3  }
0x96: {  	_ =	strace s3  }
0x97: {  	_ =	strace $0x8FFFFFFF  }
0x98: {  	s19 =	sld [smem:$0x3FDB];
	_ =	sdelay $0x1  }
0x99: {  	s4 =	simm.s32 $_scs_section_size  }
0x9a: {  	s5 =	simm.s32 $_size__tile_overlayer_lowered;
	s6 =	simm.s32 $_tile_overlayer_lowered  }
0x9b: {  	s22 =	simm.s32 $0x1BFF;
	s21 =	sshll.u32 s6, $0x1;
	s3 =	sadd.s32 s4, s19  }
0x9c: {  	s7 =	simm.s32 $0x0;
	s20 =	sshll.u32 s5, $0x1;
	s5 =	sadd.s32 s21, s3  }
0x9d: {  	[timem:s7], [sflag:s22] =	dma.local [hbm:s5], s20  }
0x9e: {  	_ =	swait.ge [sflag:s22], s20  }
0x9f: {  	s4 =	ssub.s32 $0x0, s20;
	[sflag:s22] =	ssyncset.done $0x0  }
0xa0: {  	[sflag:s22] =	ssyncadd.s32 s4;
	_ =	sdelay $0x1  }
0xa1: {  	s23 =	simm.s32 $0x1B8B  }
0xa2: {  	_ =	swait.ge [sflag:s23], $0x1  }
0xa3: {  	[sflag:s23] =	ssyncset.done $0x0  }
0xa4: {  	s25 =	simm.s32 $0x1B8E;
	s24 =	sld [smem:$0x3FFE];
	[sflag:s23] =	ssyncadd.s32 $0xFFFFFFFF  }
0xa5: {  	s26 =	simm.s32 $execute0_lowered;
	[smem:$0x3FD2] =	sst s25  }
0xa6: {  	s5 =	sshll.u32 s26, $0x1;
	_ =	strace $0x80000046;
	[dreg:$0x1] =	wrdreg $0xFFFFFFFF  }
0xa7: {  	s28 =	simm.s32 $_size_execute0_lowered;
	s3 =	sadd.s32 s3, s5;
	[dreg:$0x0] =	wrdreg $0x0  }
0xa8: {  	s5 =	sshll.u32 s28, $0x1;
	[dreg:$0x2] =	wrdreg s3  }
0xa9: {  	[dreg:$0x3] =	wrdreg s5  }
0xaa: {  	[dreg:$0x4] =	wrdreg $0xC0  }
0xab: {  	_ =	task [dreg:s7], $0x5FFFF  }
0xac: {  	[dreg:$0x1] =	wrdreg $0xFFFFFFFF  }
0xad: {  	[dreg:$0x0] =	wrdreg $0x60  }
0xae: {  	[dreg:$0x2] =	wrdreg s24  }
0xaf: {  	[dreg:$0x3] =	wrdreg s2  }
0xb0: {  	[dreg:$0x4] =	wrdreg $0x9  }
0xb1: {  	_ =	task.clear_ibuf [dreg:s7], $0x5FFFF;
	_ =	strace $0x90000046  }
0xb2: {  	s29 =	simm.s32 $0x9;
	_ =	strace $0x80000048  }
0xb3: {  	_ =	swait.ge [sflag:s29], $0x1  }
0xb4: {  	[sflag:s29] =	ssyncadd.s32 $0xFFFFFFFF  }
0xb5: {  	_ =	strace $0x90000048  }
0xb6: {  	_ =	sfence  }
0xb7: {  	s30 =	sld [smem:$0x0];
	_ =	sdelay $0x2  }
0xb8: {  	s31 =	sshll.u32 s1, $0xD;
	s1 =	sshrl.u32 s1, $0x2  }
0xb9: {  	s3 =	sand.u32 $0x4000, s31;
	s1 =	sadd.s32 s1, s30  }
0xba: {  	s0 =	sor.u32 s3, s0;
	s1 =	sshll.u32 s1, $0x11  }
0xbb: {  	s0 =	sor.u32 s1, s0  }
0xbc: {  	s0 =	sadd.s32 $0x8F2B, s0  }
0xbd: {  	[sflag:s0] =	ssyncadd.remote.s32 $0x1  }
0xbe: {  	_ =	sfence.sel $0xFFFF  }
0xbf: {  	[dreg:$0x0] =	wrdreg $0xFFFFFFFF;
	(pc) =	sbr.abs _section_cstart, $3  }
0xc0: {  	[dreg:$0x1] =	wrdreg $0xFFFFFFFF  }
0xc1: {  	_ =	task.clear_ibuf [dreg:s7], $0x2FFFF;
	_ =	strace $0x9FFFFFFF  }
0xc2: {  	(tm) =	ssettm $0x7FFFFFFF  }
0xc3: {  	_ =	shalt  }
tec
execute0_lowered:
.L_overlay_start_1:
0x0: {  	(tag) =	ssettag $0x1  }
0x1: {  	s5 =	rddreg [dreg:$0x0]  }
0x2: {  	s7 =	rddreg [dreg:$0x1]  }
0x3: {  	s0 =	rddreg [dreg:$0x2];
	s2 =	simm.s32 $0x0;
	s3 =	srdreg.scid  }
0x4: {  	s1 =	stileid.u32;
	s13 =	simm.s32 $0x320;
	s14 =	simm.s32 $0x4B0  }
0x5: {  	s15 =	simm.s32 $0x640;
	s16 =	simm.s32 $0x3840;
	s17 =	simm.s32 $0x6A40  }
0x6: {  	s18 =	simm.s32 $0x9C40;
	s19 =	simm.s32 $0x1;
	s20 =	simm.s32 $0x20  }
0x7: {  	s21 =	simm.s32 $0x80;
	s22 =	simm.s32 $0x2;
	s8 =	smul.u32 $0x3200, s1  }
0x8: {  	s23 =	simm.s32 $0x0;
	s6 =	sand.u32 $0x1, s3;
	s10 =	smul.u32 $0x320, s1  }
0x9: {  	[smem:$0x7FF] =	sst s2;
	s3 =	sadd.s32 $0x31C00, s5;
	s12 =	smul.u32 $0x190, s6  }
0xa: {  	s4 =	sadd.s32 $0xC00, s5;
	s5 =	sadd.s32 $0x19400, s5;
	s30 =	smul.u32 $0x1900, s6  }
.Ltmp0:
0xb: {  	_ =	strace $0x80000047;
	s9 =	ssub.s32 $0x2, s6;
	(pc) =	sbr.rel .LBB2_1-.Ltmp0, $4  }
0xc: {  	s6 =	sshll.u32 s1, $0x1;
	s11 =	sshrl.u32 s9, $0x1;
	s8 =	sadd.s32 s8, s7  }
0xd: {  	s9 =	ssub.s32 s9, s11;
	s10 =	sadd.s32 s12, s10;
	s8 =	sadd.s32 s30, s8  }
0xe: {  	s11 =	simm.s32 $0x3;
	s12 =	simm.s32 $0x190;
	s31 =	sadd.s32 $0x61A80, s10  }
0xf: {  	s7 =	smax.u32 s9, $0x1;
	s9 =	sshrl.u32 s10, $0x3;
	s10 =	sshrl.u32 s31, $0x3  }
.LBB2_5:
0x10: {  	s23 =	sadd.s32 $0x1, s23  }
0x11: {  	p0 =	sne.s32 s23, s7  }
.Ltmp1:
0x12: {  	_ = 	snop;
	(pc) =	sbr.rel @!p0 .LBB2_6-.Ltmp1, $1  }
0x13: {  	_ =	sdelay $0x3  }
.LBB2_1:
.Ltmp2:
0x14: {  	(pc) =	sbr.rel .LBB2_2-.Ltmp2, $3  }
0x15: {  	_ =	sdelay $0x1  }
0x16: {  	s24 =	smov.u32 s6  }
0x17: {  	s25 =	smov.u32 s4;
	s26 =	smov.u32 s5;
	s28 =	simm.s32 $0x0  }
.LBB2_4:
0x18: {  	s28 =	sadd.s32 $0x32000, s28  }
0x19: {  	p0 =	sne.s32 s28, $0x640000  }
.Ltmp3:
0x1a: {  	_ = 	snop;
	(pc) =	sbr.rel @!p0 .LBB2_5-.Ltmp3, $2  }
0x1b: {  	_ =	sdelay $0x2  }
0x1c: {  	s26 =	sadd.s32 $0x640, s26;
	s25 =	sadd.s32 $0x640, s25;
	s24 =	sadd.s32 $0x20, s24  }
.LBB2_2:
0x1d: {  	p0 =	sgt.u32 s24, $0x3E7  }
.Ltmp4:
0x1e: {  	_ = 	snop;
	(pc) =	sbr.rel @p0 .LBB2_4-.Ltmp4, $1  }
0x1f: {  	_ =	sdelay $0x3  }
0x20: {  	s29 =	sadd.s32 s25, s9  }
0x21: {  	[tilespmem:s2], [sflag:$0x3] =	stream.linear.gather [hbm4b:s29+s2], $0x190, $0x38;
	[tilespmem:$0xCE40] =	vst v63  }
0x22: {  	_ =	swait.ge [sflag:s11], $0x190  }
0x23: {  	[sflag:s11] =	ssyncset.done $0x0  }
0x24: {  	s30 =	sadd.s32 s25, s10;
	[sflag:s11] =	ssyncadd.s32 $0xFFFFFE70  }
0x25: {  	[tilespmem:s12], [sflag:$0x3] =	stream.linear.gather [hbm4b:s30+s2], $0x190, $0x38;
	[tilespmem:$0xCE40] =	vst v63  }
0x26: {  	_ =	swait.ge [sflag:s11], $0x190  }
0x27: {  	[sflag:s11] =	ssyncset.done $0x0  }
0x28: {  	s31 =	sadd.s32 s26, s9;
	[sflag:s11] =	ssyncadd.s32 $0xFFFFFE70  }
0x29: {  	[tilespmem:s13], [sflag:$0x3] =	stream.linear.gather [hbm4b:s31+s2], $0x190, $0x38;
	[tilespmem:$0xCE40] =	vst v63  }
0x2a: {  	_ =	swait.ge [sflag:s11], $0x190  }
0x2b: {  	[sflag:s11] =	ssyncset.done $0x0  }
0x2c: {  	s30 =	sadd.s32 s26, s10;
	[sflag:s11] =	ssyncadd.s32 $0xFFFFFE70  }
0x2d: {  	[tilespmem:s14], [sflag:$0x3] =	stream.linear.gather [hbm4b:s30+s2], $0x190, $0x38;
	[tilespmem:$0xCE40] =	vst v63  }
0x2e: {  	_ =	swait.ge [sflag:s11], $0x190  }
0x2f: {  	[sflag:s11] =	ssyncset.done $0x0  }
0x30: {  	[sflag:s11] =	ssyncadd.s32 $0xFFFFFE70  }
0x31: {  	[tilespmem:s15], [sflag:$0x1] =	stream.indirect.gather [hbm4b:s3+s12], $0x20, s2, s12, $0xb8;
	[tilespmem:$0xCE40] =	vst v63  }
0x32: {  	_ = 	snop  }
0x33: {  	[tilespmem:s16], [sflag:$0x1] =	stream.indirect.gather [hbm4b:s3+s12], $0x20, s12, s12, $0xb8;
	[tilespmem:$0xCE40] =	vst v63  }
0x34: {  	_ = 	snop  }
0x35: {  	[tilespmem:s17], [sflag:$0x1] =	stream.indirect.gather [hbm4b:s3+s12], $0x20, s13, s12, $0xb8;
	[tilespmem:$0xCE40] =	vst v63  }
0x36: {  	_ = 	snop  }
0x37: {  	[tilespmem:s18], [sflag:$0x1] =	stream.indirect.gather [hbm4b:s3+s12], $0x20, s14, s12, $0xb8;
	[tilespmem:$0xCE40] =	vst v63  }
0x38: {  	_ =	swait.ge [sflag:s19], $0x3200  }
0x39: {  	[sflag:s19] =	ssyncset.done $0x0  }
0x3a: {  	[sflag:s19] =	ssyncadd.s32 $0xFFFFCE00  }
0x3b: {  	_ =	swait.ge [sflag:s19], $0x3200  }
0x3c: {  	[sflag:s19] =	ssyncset.done $0x0  }
0x3d: {  	[sflag:s19] =	ssyncadd.s32 $0xFFFFCE00  }
0x3e: {  	_ =	swait.ge [sflag:s19], $0x3200  }
0x3f: {  	[sflag:s19] =	ssyncset.done $0x0  }
0x40: {  	[sflag:s19] =	ssyncadd.s32 $0xFFFFCE00  }
0x41: {  	_ =	swait.ge [sflag:s19], $0x3200  }
0x42: {  	[sflag:s19] =	ssyncset.done $0x0  }
0x43: {  	s29 =	sadd.s32 s28, s8;
	[sflag:s19] =	ssyncadd.s32 $0xFFFFCE00  }
0x44: {  	[hbm4b:s29+s20] =	stream.strided.scatter [tilespmem:s15], [sflag:$0x3], $0x3200, s21, s20, $0x38;
	[tilespmem:$0xCE40] =	vst v63  }
0x45: {  	_ =	swait.ge [sflag:s11], $0x3200  }
0x46: {  	[sflag:s11] =	ssyncset.done $0x0  }
0x47: {  	s30 =	sadd.s32 $0x4, s29;
	[sflag:s11] =	ssyncadd.s32 $0xFFFFCE00  }
0x48: {  	[hbm4b:s30+s20] =	stream.strided.scatter [tilespmem:s17], [sflag:$0x3], $0x3200, s21, s20, $0x38;
	[tilespmem:$0xCE40] =	vst v63  }
0x49: {  	_ =	swait.ge [sflag:s11], $0x3200  }
0x4a: {  	[sflag:s11] =	ssyncset.done $0x0  }
0x4b: {  	s31 =	sadd.s32 $0x8, s29;
	[sflag:s11] =	ssyncadd.s32 $0xFFFFCE00  }
0x4c: {  	[hbm4b:s31+s20] =	stream.strided.scatter [tilespmem:s16], [sflag:$0x3], $0x3200, s21, s20, $0x38;
	[tilespmem:$0xCE40] =	vst v63  }
0x4d: {  	_ =	swait.ge [sflag:s11], $0x3200  }
0x4e: {  	[sflag:s11] =	ssyncset.done $0x0  }
.Ltmp5:
0x4f: {  	s29 =	sadd.s32 $0xC, s29;
	[sflag:s11] =	ssyncadd.s32 $0xFFFFCE00;
	(pc) =	sbr.rel .LBB2_4-.Ltmp5, $4  }
0x50: {  	[hbm4b:s29+s20] =	stream.strided.scatter [tilespmem:s18], [sflag:$0x2], $0x3200, s21, s20, $0x38;
	[tilespmem:$0xCE40] =	vst v63  }
0x51: {  	_ =	swait.ge [sflag:s22], $0x3200  }
0x52: {  	[sflag:s22] =	ssyncset.done $0x0  }
0x53: {  	[sflag:s22] =	ssyncadd.s32 $0xFFFFCE00  }
.LBB2_6:
0x54: {  	_ =	sfence.sel $0x180000  }
0x55: {  	[bflag:$0x0] =	sbarrier.arrive $0xFFFF  }
0x56: {  	p0 =	sne.s32 s1, $0x0;
	_ =	strace $0x90000047  }
0x57: {  	s0 =	sadd.s32 @!p0 $0x100000, s0;
	[bflag:$0x2] =	sbarrier.arrive $0xFFFF  }
0x58: {  	[sflag:s0] =	ssyncadd.tile.s32 @!p0 $0x1;
	_ =	shalt  }
.Lfunc_end2:
_tile_overlayer_lowered:
.L_overlay_start_2:
0x59: {  	(tag) =	ssettag $0x2  }
0x5a: {  	s0 =	rddreg [dreg:$0x0];
	s2 =	stileid.u32  }
0x5b: {  	s1 =	rddreg [dreg:$0x1];
	p0 =	sne.s32 s2, $0x0  }
0x5c: {  	s3 =	rddreg [dreg:$0x2];
	[bflag:$0x3] =	sbarrier.arrive $0xFFFF;
	s2 =	simm.s32 @!p0 $0x1C02  }
0x5d: {  	[timem:s3], [sflag:s2] =	dma.local @!p0 [hbm:s0], s1  }
0x5e: {  	s0 =	simm.s32 @!p0 $0x2  }
0x5f: {  	_ =	swait.ge @!p0 [sflag:s0], s1  }
0x60: {  	s1 =	ssub.s32 @!p0 $0x0, s1;
	[sflag:s0] =	ssyncset.done @!p0 $0x0  }
0x61: {  	[sflag:s0] =	ssyncadd.s32 @!p0 s1  }
0x62: {  	[bflag:$0x3] =	sbarrier.arrive $0xFFFF  }
0x63: {  	_ =	shalt  }

// kernel: sparse-core-data-format-call.cloned.1.call-start
scs
called_computation_lowered:
.L_overlay_start_0:
0x0: {  	s2 =	sld [smem:$0x3FD9]  }
0x1: {  	s3 =	sld [smem:$0x3FFE];
	_ =	sdelay $0x1  }
0x2: {  	s1 =	srdreg.scid  }
0x3: {  	s0 =	sand.u32 $0x1, s1  }
0x4: {  	s18 =	sshll.u32 s0, $0xA;
	s2 =	sadd.s32 s3, s2  }
0x5: {  	s2 =	sadd.s32 s2, s18  }
0x6: {  	[smem:$0x3FC0] =	sst s2  }
0x7: {  	_ = 	snop  }
0x8: {  	s2 =	sld [smem:$0x3FD0];
	(tm) =	ssettm $0x1  }
0x9: {  	s19 =	sld [smem:$0x3FFB];
	_ =	sdelay $0x3  }
0xa: {  	_ =	strace s19  }
0xb: {  	s3 =	sld [smem:$0x3FFC];
	_ =	sdelay $0x3  }
0xc: {  	_ =	strace s3  }
0xd: {  	s3 =	sld [smem:$0x3FFD];
	_ =	sdelay $0x3  }
0xe: {  	_ =	strace s3  }
0xf: {  	_ =	strace $0x8FFFFFFF  }
0x10: {  	s20 =	sld [smem:$0x3FDB];
	_ =	sdelay $0x1  }
0x11: {  	s4 =	simm.s32 $_scs_section_size  }
0x12: {  	s5 =	simm.s32 $_size__tile_overlayer_lowered;
	s6 =	simm.s32 $_tile_overlayer_lowered  }
0x13: {  	s23 =	simm.s32 $0x1BFF;
	s22 =	sshll.u32 s6, $0x1;
	s3 =	sadd.s32 s4, s20  }
0x14: {  	s7 =	simm.s32 $0x0;
	s21 =	sshll.u32 s5, $0x1;
	s5 =	sadd.s32 s22, s3  }
0x15: {  	[timem:s7], [sflag:s23] =	dma.local [hbm:s5], s21  }
0x16: {  	_ =	swait.ge [sflag:s23], s21  }
0x17: {  	s4 =	ssub.s32 $0x0, s21;
	[sflag:s23] =	ssyncset.done $0x0  }
0x18: {  	[sflag:s23] =	ssyncadd.s32 s4;
	_ =	sdelay $0x1  }
0x19: {  	s24 =	simm.s32 $0x1B8B  }
0x1a: {  	_ =	swait.ge [sflag:s24], $0x1  }
0x1b: {  	[sflag:s24] =	ssyncset.done $0x0  }
0x1c: {  	s26 =	simm.s32 $0x1B8E;
	s25 =	sld [smem:$0x3FFE];
	[sflag:s24] =	ssyncadd.s32 $0xFFFFFFFF  }
0x1d: {  	s27 =	simm.s32 $execute0_lowered;
	[smem:$0x3FD2] =	sst s26  }
0x1e: {  	s5 =	sshll.u32 s27, $0x1;
	_ =	strace $0x80000049;
	[dreg:$0x1] =	wrdreg $0xFFFFFFFF  }
0x1f: {  	s28 =	simm.s32 $_size_execute0_lowered;
	s3 =	sadd.s32 s3, s5;
	[dreg:$0x0] =	wrdreg $0x0  }
0x20: {  	s5 =	sshll.u32 s28, $0x1;
	[dreg:$0x2] =	wrdreg s3  }
0x21: {  	[dreg:$0x3] =	wrdreg s5  }
0x22: {  	[dreg:$0x4] =	wrdreg $0xC0  }
0x23: {  	_ =	task [dreg:s7], $0x5FFFF  }
0x24: {  	[dreg:$0x1] =	wrdreg $0xFFFFFFFF  }
0x25: {  	[dreg:$0x0] =	wrdreg $0x60  }
0x26: {  	[dreg:$0x2] =	wrdreg s25  }
0x27: {  	[dreg:$0x3] =	wrdreg s2  }
0x28: {  	[dreg:$0x4] =	wrdreg $0x9  }
0x29: {  	_ =	task.clear_ibuf [dreg:s7], $0x5FFFF;
	_ =	strace $0x90000049  }
0x2a: {  	s29 =	simm.s32 $0x9;
	_ =	strace $0x8000004B  }
0x2b: {  	_ =	swait.ge [sflag:s29], $0x1  }
0x2c: {  	[sflag:s29] =	ssyncadd.s32 $0xFFFFFFFF  }
0x2d: {  	_ =	strace $0x9000004B  }
0x2e: {  	_ =	sfence  }
0x2f: {  	s30 =	sld [smem:$0x0];
	_ =	sdelay $0x2  }
0x30: {  	s31 =	sshll.u32 s1, $0xD;
	s1 =	sshrl.u32 s1, $0x2  }
0x31: {  	s3 =	sand.u32 $0x4000, s31;
	s1 =	sadd.s32 s1, s30  }
0x32: {  	s0 =	sor.u32 s3, s0;
	s1 =	sshll.u32 s1, $0x11  }
0x33: {  	s0 =	sor.u32 s1, s0  }
0x34: {  	s0 =	sadd.s32 $0x8F2B, s0  }
0x35: {  	[sflag:s0] =	ssyncadd.remote.s32 $0x1  }
0x36: {  	_ =	sfence.sel $0xFFFF  }
0x37: {  	[dreg:$0x0] =	wrdreg $0xFFFFFFFF;
	(pc) =	sbr.abs _section_cstart, $3  }
0x38: {  	[dreg:$0x1] =	wrdreg $0xFFFFFFFF  }
0x39: {  	_ =	task.clear_ibuf [dreg:s7], $0x2FFFF;
	_ =	strace $0x9FFFFFFF  }
0x3a: {  	(tm) =	ssettm $0x7FFFFFFF  }
0x3b: {  	_ =	shalt  }
tec
execute0_lowered:
.L_overlay_start_1:
0x0: {  	(tag) =	ssettag $0x1  }
0x1: {  	s0 =	srdreg.scid  }
0x2: {  	s1 =	sshll.u32 s0, $0x4  }
0x3: {  	s4 =	rddreg [dreg:$0x0];
	s0 =	stileid.u32;
	s1 =	sand.u32 $0x10, s1  }
0x4: {  	s2 =	rddreg [dreg:$0x1];
	s7 =	simm.s32 $0x1;
	s1 =	sor.u32 s0, s1  }
0x5: {  	s8 =	simm.s32 $0x2;
	s11 =	simm.s32 $0x0;
	s3 =	sshll.u32 s1, $0x7  }
0x6: {  	s10 =	simm.s32 $0x0;
	s4 =	sadd.s32 $0xC00, s4;
	s6 =	ssub.s32 $0xC3500, s3  }
.Ltmp0:
0x7: {  	s1 =	rddreg [dreg:$0x2];
	s5 =	sand.u32 $0xF80, s6;
	(pc) =	sbr.rel .LBB1_1-.Ltmp0, $4  }
0x8: {  	_ =	strace $0x8000004A;
	s9 =	smov.u32 s3;
	p0 =	sne.s32 s5, $0x0  }
0x9: {  	s6 =	sshrl.u32 s6, $0xC;
	s5 =	simm.s32 $0x1;
	s7 =	simm.s32 @!p0 $0x0  }
0xa: {  	[sflag:s5] =	ssyncpa.u1 $0x0;
	p0 =	por $0x0, $0x0;
	s6 =	sadd.s32 s7, s6  }
0xb: {  	[sflag:s8] =	ssyncpa.u1 $0x0;
	s8 =	simm.s32 $0x61A800;
	s7 =	sadd.s32 $0x1, s6  }
.LBB1_4:
0xc: {  	s14 =	sshll.u32 s11, $0x3  }
0xd: {  	s14 =	sand.u32 $0xFFFFFC00, s14  }
0xe: {  	s15 =	sshrl.u32 s14, $0x8  }
0xf: {  	s15 =	smulhi.u32 $0x14F8B59, s15;
	_ =	sdelay $0x1  }
0x10: {  	s15 =	sshrl.u32 s15, $0x4  }
0x11: {  	s28 =	sand.u32 $0x7F, s11;
	s16 =	smul.u32 $0xC3500, s15  }
0x12: {  	s11 =	sor.u32 s28, s14  }
0x13: {  	s29 =	sand.u32 $0x3F, s15;
	s11 =	ssub.s32 s11, s16  }
0x14: {  	[tilespmem:s13+$0x810 ss:$0x81] =	vst.msk $0xffff, v2;
	s14 =	smul.u32 $0x186A0, s29;
	s30 =	sshrl.u32 s11, $0x3;
	s11 =	sand.u32 $0x7, s11  }
0x15: {  	[tilespmem:s13+$0x1020 ss:$0x81] =	vst.msk $0xffff, v0;
	s15 =	sadd.s32 s2, s30;
	s11 =	sshll.u32 s11, $0x12  }
0x16: {  	[tilespmem:s13+$0x0 ss:$0x81] =	vst.msk $0xffff, v1;
	s31 =	sadd.s32 s14, s15;
	s11 =	sor.u32 $0x400, s11  }
0x17: {  	[hbm4b:s31+s11] =	stream.strided.scatter [tilespmem:s12], [sflag:$0x2], $0x2000, s8, s11, $0x20;
	[tilespmem:$0x8080] =	vst v63  }
.LBB1_5:
0x18: {  	s13 =	sadd.s32 $0x1000, s9  }
0x19: {  	p2 =	sgt.s32 s13, $0xC34FF  }
0x1a: {  	s13 =	smov.u32 @p2 s3;
	p2 =	sne.s32 s10, s7  }
.Ltmp1:
0x1b: {  	p1 =	slt.u32 s10, $0x2;
	(pc) =	sbr.rel @!p2 .LBB1_6-.Ltmp1, $4  }
0x1c: {  	s12 =	simm.s32 @!p1 $0x2  }
0x1d: {  	s14 =	sadd.s32 $0x1, s10;
	_ =	swait.ge @!p1 [sflag:s12], $0x2000  }
0x1e: {  	s11 =	smov.u32 s9;
	p0 =	por !p0, !p0;
	[sflag:s12] =	ssyncset.done @!p1 $0x0  }
0x1f: {  	s10 =	smov.u32 s14;
	s9 =	smov.u32 s13;
	[sflag:s12] =	ssyncadd.s32 @!p1 $0xFFFFE000  }
.LBB1_1:
0x20: {  	p1 =	sge.u32 s10, s6  }
0x21: {  	s12 =	sand.u32 @!p1 $0x1FFFFFF, s9  }
0x22: {  	s13 =	smulhi.u32 @!p1 $0x14F8B59, s12;
	_ =	sdelay $0x1  }
0x23: {  	s13 =	sshrl.u32 @!p1 s13, $0xC  }
0x24: {  	s13 =	smul.u32 @!p1 $0xC3500, s13;
	_ =	sdelay $0x1  }
0x25: {  	s31 =	sadd.s32 $0xFFFFFFFF, s10;
	s14 =	sxor.u32 @!p1 $0xFFFFFFFF, s10;
	s12 =	ssub.s32 @!p1 s12, s13  }
0x26: {  	s15 =	simm.s32 @!p1 $0x80;
	s14 =	sshll.u32 @!p1 s14, $0xD;
	s12 =	sshll.u32 @!p1 s12, $0x4  }
0x27: {  	s13 =	sand.u32 @!p1 $0x2000, s14;
	s14 =	simm.s32 @!p1 $0x40;
	s12 =	sadd.s32 @!p1 s4, s12  }
0x28: {  	[tilespmem:s13], [sflag:$0x1] =	stream.strided.gather @!p1 [hbm4b:s12+s14], $0x2000, s15, s14, $0x38;
	[tilespmem:$0x8080] =	vst v63  }
0x29: {  	p1 =	sge.u32 s31, s6  }
.Ltmp2:
0x2a: {  	_ = 	snop;
	(pc) =	sbr.rel @p1 .LBB1_5-.Ltmp2, $1  }
0x2b: {  	_ =	sdelay $0x3  }
0x2c: {  	s12 =	simm.s32 $0x1  }
0x2d: {  	_ =	swait.ge [sflag:s5], $0x2000;
	s12 =	simm.s32 @!p0 $0x0  }
0x2e: {  	[sflag:s5] =	ssyncset.done $0x0;
	s13 =	sshll.u32 s12, $0xD  }
0x2f: {  	[sflag:s5] =	ssyncadd.s32 $0xFFFFE000;
	s16 =	sor.u32 $0x20, s13  }
0x30: {  	s12 =	smul.u32 $0x8100, s12;
	v3 =	vld [tilespmem:s16+$0x10]  }
0x31: {  	s30 =	sand.u32 $0x1, s10;
	v2 =	vld [tilespmem:s16+$0xFFFFFFF0]  }
0x32: {  	s13 =	smul.u32 $0x8100, s30;
	s12 =	sshrl.u32 s12, $0x2;
	v0 =	vld [tilespmem:s16+$0x0]  }
0x33: {  	v1 =	vld [tilespmem:s16+$0xFFFFFFE0];
	s14 =	sor.u32 $0x4000, s12  }
0x34: {  	s31 =	sshrl.u32 s13, $0x2;
	s13 =	sadd.s32 $0x0, s14  }
0x35: {  	s15 =	simm.s32 $0x4;
	s16 =	sadd.s32 $0x40, s16;
	s12 =	sor.u32 $0x4000, s31;
	[tilespmem:s13+$0x1830 ss:$0x81] =	vst.msk $0xffff, v3  }
.LBB1_3:
0x36: {  	v3 =	vld [tilespmem:s16+$0x10];
	p1 =	sne.s32 s15, $0x1FC;
	[tilespmem:s13+$0x810 ss:$0x81] =	vst.msk $0xffff, v2;
	s17 =	smov.u32 s15;
	s15 =	sadd.s32 $0x4, s15  }
.Ltmp3:
0x37: {  	v2 =	vld [tilespmem:s16+$0xFFFFFFF0];
	[tilespmem:s13+$0x1020 ss:$0x81] =	vst.msk $0xffff, v0;
	(pc) =	sbr.rel @p1 .LBB1_3-.Ltmp3, $4  }
0x38: {  	v0 =	vld [tilespmem:s16+$0x0];
	[tilespmem:s13+$0x0 ss:$0x81] =	vst.msk $0xffff, v1  }
0x39: {  	s13 =	sshra.s32 s17, $0x2;
	v1 =	vld [tilespmem:s16+$0xFFFFFFE0]  }
0x3a: {  	s13 =	sadd.s32 s13, s14  }
0x3b: {  	s16 =	sadd.s32 $0x40, s16;
	[tilespmem:s13+$0x1830 ss:$0x81] =	vst.msk $0xffff, v3  }
.Ltmp4:
0x3c: {  	_ = 	snop;
	(pc) =	sbr.rel .LBB1_4-.Ltmp4, $1  }
0x3d: {  	_ =	sdelay $0x3  }
.LBB1_6:
0x3e: {  	_ =	sfence.sel $0x180000  }
0x3f: {  	s2 =	simm.s32 $0x1;
	[bflag:$0x0] =	sbarrier.arrive $0xFFFF  }
0x40: {  	s31 =	simm.s32 $0x2;
	[sflag:s2] =	ssyncpa.u1 $0x1  }
0x41: {  	[sflag:s31] =	ssyncpa.u1 $0x1  }
0x42: {  	p0 =	sne.s32 s0, $0x0;
	_ =	strace $0x9000004A  }
0x43: {  	s0 =	sadd.s32 @!p0 $0x100000, s1;
	[bflag:$0x2] =	sbarrier.arrive $0xFFFF  }
0x44: {  	[sflag:s0] =	ssyncadd.tile.s32 @!p0 $0x1;
	_ =	shalt  }
.Lfunc_end1:
_tile_overlayer_lowered:
.L_overlay_start_2:
0x45: {  	(tag) =	ssettag $0x2  }
0x46: {  	s0 =	rddreg [dreg:$0x0];
	s2 =	stileid.u32  }
0x47: {  	s1 =	rddreg [dreg:$0x1];
	p0 =	sne.s32 s2, $0x0  }
0x48: {  	s3 =	rddreg [dreg:$0x2];
	[bflag:$0x3] =	sbarrier.arrive $0xFFFF;
	s2 =	simm.s32 @!p0 $0x1C01  }
0x49: {  	[timem:s3], [sflag:s2] =	dma.local @!p0 [hbm:s0], s1  }
0x4a: {  	s0 =	simm.s32 @!p0 $0x1  }
0x4b: {  	_ =	swait.ge @!p0 [sflag:s0], s1  }
0x4c: {  	s1 =	ssub.s32 @!p0 $0x0, s1;
	[sflag:s0] =	ssyncset.done @!p0 $0x0  }
0x4d: {  	[sflag:s0] =	ssyncadd.s32 @!p0 s1  }
0x4e: {  	[bflag:$0x3] =	sbarrier.arrive $0xFFFF  }
0x4f: {  	_ =	shalt  }

</sc_bundles>
